<compile_context>
chip_gen: v7x
topology: tpu7x:2x2x1
jax: 0.10.2.dev20260603
libtpu: 0.0.44.dev20260713+nightly
codegen_flags: <defaults>
</compile_context>

<pallas_src>
import functools

import jax
import jax.numpy as jnp
from jax import lax
from jax.experimental import pallas as pl
from jax.experimental.pallas import tpu as pltpu
from jax.experimental.pallas import tpu_sc as plsc

B = 16384
NC, NS = 2, 16
NW = NC * NS
BPW = B // NW
CHUNK = 128
NCHUNK = BPW // CHUNK
NU = 1000000
USTRIDE = 253952
NUROWS = USTRIDE
NV = 50356
SPAD = 16
SMALL_OFF = (0, 9, 13, 47, 56)
SMALL_ROWS = 1888

TRR = 8192
TRGRID = NUROWS // TRR
_ULASTBLK = (NU - 1) // TRR

_mesh = plsc.VectorSubcoreMesh(core_axis_name="c", subcore_axis_name="s")


def _tr_body(in0, in1, in2, in3, out_ref):
    f32 = jnp.float32
    eye = jnp.eye(128, dtype=f32)
    acc = None
    for q, ref in enumerate((in0, in1, in2, in3)):
        c = lax.dot_general(ref[...], eye[32 * q:32 * q + 32, :],
                            (((0,), (0,)), ((), ())),
                            preferred_element_type=f32)
        acc = c if acc is None else acc + c
    out_ref[...] = acc


def _pack_user(utT):
    spec = lambda q: pl.BlockSpec(
        (32, TRR), lambda i, _q=q: (0, jnp.minimum(i + _q * TRGRID, _ULASTBLK)))
    return pl.pallas_call(
        _tr_body,
        grid=(TRGRID,),
        in_specs=[spec(0), spec(1), spec(2), spec(3)],
        out_specs=pl.BlockSpec((TRR, 128), lambda i: (i, 0)),
        out_shape=jax.ShapeDtypeStruct((NUROWS, 128), jnp.float32),
    )(utT, utT, utT, utT)


@functools.partial(
    pl.kernel,
    mesh=_mesh,
    compiler_params=pltpu.CompilerParams(use_tc_tiling_on_sc=False),
    out_type=(
        jax.ShapeDtypeStruct((B, 128), jnp.float32),
        jax.ShapeDtypeStruct((B, 32), jnp.float32),
        jax.ShapeDtypeStruct((5, B, SPAD), jnp.float32),
    ),
    scratch_types=(
        [pltpu.VMEM((NCHUNK, CHUNK), jnp.int32) for _ in range(7)]
        + [
            pltpu.VMEM((BPW, 128), jnp.float32),
            pltpu.VMEM((BPW, 32), jnp.float32),
        ]
        + [pltpu.VMEM((BPW, SPAD), jnp.float32) for _ in range(5)]
        + [pltpu.SemaphoreType.DMA, pltpu.SemaphoreType.DMA,
           pltpu.SemaphoreType.DMA]
    ),
)
def _sc_gather(t128, video_table, sm16,
               uid4, vid, aid, gid, pid, cid, did,
               out_u, out_v, out_s,
               ixu, ixv, ix0, ix1, ix2, ix3, ix4,
               ru, rv, rs0, rs1, rs2, rs3, rs4, sem_i, sem_g, sem_o):
    wid = lax.axis_index("s") * NC + lax.axis_index("c")
    base = wid * BPW
    crow = wid * NCHUNK

    idx_refs = (ixu, ixv, ix0, ix1, ix2, ix3, ix4)
    id_hbm = (uid4, vid, aid, gid, pid, cid, did)
    tables = (t128, video_table, sm16, sm16, sm16, sm16, sm16)
    rows = (ru, rv, rs0, rs1, rs2, rs3, rs4)
    outs = (out_u.at[pl.ds(base, BPW)], out_v.at[pl.ds(base, BPW)]) + tuple(
        out_s.at[t, pl.ds(base, BPW)] for t in range(5))

    stage = [pltpu.async_copy(ids.at[pl.ds(crow, NCHUNK)], ix, sem_i)
             for ix, ids in zip(idx_refs, id_hbm)]
    for c in stage:
        c.wait()

    gath = [pltpu.async_copy(tab.at[ix.at[j]],
                             dst.at[pl.ds(j * CHUNK, CHUNK)], sem_g)
            for ix, tab, dst in zip(idx_refs, tables, rows)
            for j in range(NCHUNK)]
    for c in gath:
        c.wait()
    wb = [pltpu.async_copy(src, dst, sem_o) for src, dst in zip(rows, outs)]
    for c in wb:
        c.wait()


def _tc_body(u_ref, uid_ref, v_ref, s_ref, vsc_ref, vact_ref, vdir_ref,
             sco_ref, dur_ref, Wsec_ref, Wact_ref, Wdir_ref, Wsco_ref,
             Wdur_ref, W1u4_ref, W1v_ref, W1sec_ref, W1act_ref, W1dir_ref,
             w1sco_ref, w1dur_ref, W1s_ref, bsec_ref, bact_ref, bdir_ref,
             bsco_ref, bdur_ref, b1_ref, W2_ref, b2_ref, W3_ref, b3_ref,
             out_ref):
    f32 = jnp.float32
    dot = functools.partial(jnp.dot, preferred_element_type=f32)

    u128 = u_ref[...]
    q = uid_ref[...]
    lanes = lax.broadcasted_iota(jnp.int32, u128.shape, 1) >> 5
    u_masked = jnp.where(lanes == q, u128, 0.0)
    h = dot(u_masked, W1u4_ref[...])
    h += dot(v_ref[...], W1v_ref[...])
    for t in range(5):
        h += dot(s_ref[t], W1s_ref[t])
    h += dot(vsc_ref[...], dot(Wsec_ref[...], W1sec_ref[...]))
    h += dot(vact_ref[...], dot(Wact_ref[...], W1act_ref[...]))
    h += dot(vdir_ref[...], dot(Wdir_ref[...], W1dir_ref[...]))
    h += dot(sco_ref[...], dot(Wsco_ref[...], w1sco_ref[...]))
    h += dot(dur_ref[...], dot(Wdur_ref[...], w1dur_ref[...]))
    bias = b1_ref[...]
    bias += dot(bsec_ref[...], W1sec_ref[...])
    bias += dot(bact_ref[...], W1act_ref[...])
    bias += dot(bdir_ref[...], W1dir_ref[...])
    bias += dot(bsco_ref[...], w1sco_ref[...])
    bias += dot(bdur_ref[...], w1dur_ref[...])
    h = jnp.maximum(h + bias, 0.0)
    h = jnp.maximum(dot(h, W2_ref[...]) + b2_ref[...], 0.0)
    out_ref[...] = dot(h, W3_ref[...]) + b3_ref[...]


def kernel(user_id, video_id, video_second_class, video_actor_list,
           video_director_list, video_score, video_duration, age, gender,
           province, city_level, device_name, user_table, video_table,
           age_table, gender_table, province_table, city_table, device_table,
           W_sec, b_sec, W_act, b_act, W_dir, b_dir, W_score, b_score,
           W_dur, b_dur, W_fc1, b_fc1, W_fc2, b_fc2, W_out, b_out):
    i32 = jnp.int32
    f32 = jnp.float32

    t128 = _pack_user(user_table.T)
    sm16 = jnp.pad(
        jnp.concatenate([age_table, gender_table, province_table, city_table,
                         device_table], axis=0),
        ((0, SMALL_ROWS - 1883), (0, SPAD - 5)))

    uid = user_id.astype(i32)
    ids2d = [x.reshape(B // CHUNK, CHUNK) for x in (
        uid % USTRIDE,
        video_id.astype(i32),
        age.astype(i32) + SMALL_OFF[0],
        gender.astype(i32) + SMALL_OFF[1],
        province.astype(i32) + SMALL_OFF[2],
        city_level.astype(i32) + SMALL_OFF[3],
        device_name.astype(i32) + SMALL_OFF[4],
    )]

    out_u, out_v, out_s = _sc_gather(t128, video_table, sm16, *ids2d)

    W1u4 = jnp.concatenate([W_fc1[0:32]] * 4, axis=0)
    W1v = W_fc1[32:64]
    W1sec = W_fc1[64:69]
    W1act = W_fc1[69:74]
    W1dir = W_fc1[74:79]
    w1sco = W_fc1[79:80]
    w1dur = W_fc1[80:81]
    W1s = jnp.stack([jnp.pad(W_fc1[81 + 5 * t:86 + 5 * t],
                             ((0, SPAD - 5), (0, 0))) for t in range(5)])

    blk = 2048
    grid = (B // blk,)
    ins = (out_u, (uid // USTRIDE).reshape(B, 1), out_v, out_s,
           video_second_class, video_actor_list, video_director_list,
           video_score.reshape(B, 1), video_duration.reshape(B, 1),
           W_sec, W_act, W_dir, W_score, W_dur,
           W1u4, W1v, W1sec, W1act, W1dir, w1sco, w1dur, W1s,
           b_sec.reshape(1, 5), b_act.reshape(1, 5), b_dir.reshape(1, 5),
           b_score.reshape(1, 1), b_dur.reshape(1, 1), b_fc1.reshape(1, 64),
           W_fc2, b_fc2.reshape(1, 32), W_out, b_out.reshape(1, 10))
    in_specs = [
        pl.BlockSpec((blk, 128), lambda i: (i, 0)),
        pl.BlockSpec((blk, 1), lambda i: (i, 0)),
        pl.BlockSpec((blk, 32), lambda i: (i, 0)),
        pl.BlockSpec((5, blk, SPAD), lambda i: (0, i, 0)),
        pl.BlockSpec((blk, 5), lambda i: (i, 0)),
        pl.BlockSpec((blk, 5), lambda i: (i, 0)),
        pl.BlockSpec((blk, 5), lambda i: (i, 0)),
        pl.BlockSpec((blk, 1), lambda i: (i, 0)),
        pl.BlockSpec((blk, 1), lambda i: (i, 0)),
    ] + [pl.BlockSpec(a.shape, lambda i, _n=a.ndim: (0,) * _n)
         for a in ins[9:]]

    return pl.pallas_call(
        _tc_body,
        grid=grid,
        in_specs=in_specs,
        out_specs=pl.BlockSpec((blk, 10), lambda i: (i, 0)),
        out_shape=jax.ShapeDtypeStruct((B, 10), f32),
    )(*ins)

# --- scband reference (transcript-rebuilt; emitter-appended) ---
"""Pipeline reference for scband-mlp-38817914421464 (READ-ONLY COPY).

The authoritative reference and input builder live on the scoring server;
editing this copy changes nothing except your own understanding.
"""

import jax, jax.numpy as jnp
import numpy as np

B = 16384
N_USERS = 1000000
N_ITEMS = 50356
N_AGE = 9
N_GENDER = 4
N_PROV = 34
N_CITY = 9
N_DEV = 1827
W2V = 5


def setup_inputs(seed: int = 0) -> dict:
    key = jax.random.key(seed)
    ks = jax.random.split(key, 40)
    inp = {}
    inp['user_id'] = jax.random.randint(ks[0], (B,), 0, N_USERS)
    inp['video_id'] = jax.random.randint(ks[1], (B,), 0, N_ITEMS)
    inp['video_second_class'] = jax.random.normal(ks[2], (B, W2V), dtype=jnp.float32)
    inp['video_actor_list'] = jax.random.normal(ks[3], (B, W2V), dtype=jnp.float32)
    inp['video_director_list'] = jax.random.normal(ks[4], (B, W2V), dtype=jnp.float32)
    inp['video_score'] = jax.random.uniform(ks[5], (B,), dtype=jnp.float32)
    inp['video_duration'] = jax.random.uniform(ks[6], (B,), dtype=jnp.float32)
    inp['age'] = jax.random.randint(ks[7], (B,), 0, N_AGE)
    inp['gender'] = jax.random.randint(ks[8], (B,), 0, N_GENDER)
    inp['province'] = jax.random.randint(ks[9], (B,), 0, N_PROV)
    inp['city_level'] = jax.random.randint(ks[10], (B,), 0, N_CITY)
    inp['device_name'] = jax.random.randint(ks[11], (B,), 0, N_DEV)
    # learned parameters
    inp['user_table'] = jax.random.normal(ks[12], (N_USERS, 32), dtype=jnp.float32) * 0.02
    inp['video_table'] = jax.random.normal(ks[13], (N_ITEMS, 32), dtype=jnp.float32) * 0.02
    inp['age_table'] = jax.random.normal(ks[14], (N_AGE, 5), dtype=jnp.float32) * 0.02
    inp['gender_table'] = jax.random.normal(ks[15], (N_GENDER, 5), dtype=jnp.float32) * 0.02
    inp['province_table'] = jax.random.normal(ks[16], (N_PROV, 5), dtype=jnp.float32) * 0.02
    inp['city_table'] = jax.random.normal(ks[17], (N_CITY, 5), dtype=jnp.float32) * 0.02
    inp['device_table'] = jax.random.normal(ks[18], (N_DEV, 5), dtype=jnp.float32) * 0.02
    inp['W_sec'] = jax.random.normal(ks[19], (W2V, W2V), dtype=jnp.float32) * 0.1
    inp['b_sec'] = jnp.zeros((W2V,), dtype=jnp.float32)
    inp['W_act'] = jax.random.normal(ks[20], (W2V, W2V), dtype=jnp.float32) * 0.1
    inp['b_act'] = jnp.zeros((W2V,), dtype=jnp.float32)
    inp['W_dir'] = jax.random.normal(ks[21], (W2V, W2V), dtype=jnp.float32) * 0.1
    inp['b_dir'] = jnp.zeros((W2V,), dtype=jnp.float32)
    inp['W_score'] = jax.random.normal(ks[22], (1, 1), dtype=jnp.float32) * 0.1
    inp['b_score'] = jnp.zeros((1,), dtype=jnp.float32)
    inp['W_dur'] = jax.random.normal(ks[23], (1, 1), dtype=jnp.float32) * 0.1
    inp['b_dur'] = jnp.zeros((1,), dtype=jnp.float32)
    inp['W_fc1'] = jax.random.normal(ks[24], (106, 64), dtype=jnp.float32) * 0.1
    inp['b_fc1'] = jnp.zeros((64,), dtype=jnp.float32)
    inp['W_fc2'] = jax.random.normal(ks[25], (64, 32), dtype=jnp.float32) * 0.1
    inp['b_fc2'] = jnp.zeros((32,), dtype=jnp.float32)
    inp['W_out'] = jax.random.normal(ks[26], (32, 10), dtype=jnp.float32) * 0.1
    inp['b_out'] = jnp.zeros((10,), dtype=jnp.float32)
    return inp


def reference(user_id, video_id, video_second_class, video_actor_list, video_director_list,
              video_score, video_duration, age, gender, province, city_level, device_name,
              user_table, video_table, age_table, gender_table, province_table, city_table,
              device_table, W_sec, b_sec, W_act, b_act, W_dir, b_dir, W_score, b_score,
              W_dur, b_dur, W_fc1, b_fc1, W_fc2, b_fc2, W_out, b_out):
    u = jnp.take(user_table, user_id, axis=0)
    v = jnp.take(video_table, video_id, axis=0)
    sec = video_second_class @ W_sec + b_sec
    act = video_actor_list @ W_act + b_act
    dct = video_director_list @ W_dir + b_dir
    sc = video_score.reshape(-1, 1) @ W_score + b_score
    du = video_duration.reshape(-1, 1) @ W_dur + b_dur
    a = jnp.take(age_table, age, axis=0)
    g = jnp.take(gender_table, gender, axis=0)
    p = jnp.take(province_table, province, axis=0)
    c = jnp.take(city_table, city_level, axis=0)
    d = jnp.take(device_table, device_name, axis=0)
    x = jnp.concatenate([u, v, sec, act, dct, sc, du, a, g, p, c, d], axis=1)
    x = jax.nn.relu(x @ W_fc1 + b_fc1)
    x = jax.nn.relu(x @ W_fc2 + b_fc2)
    logit = x @ W_out + b_out
    return logit

if __name__ == "__main__":
    import jax
    _d = setup_inputs()
    print(jax.jit(kernel)(*tuple(_d.values())))

</pallas_src>

<mosaic_0001>
#map = affine_map<(d0, d1) -> (0, 0)>
#map1 = affine_map<(d0, d1) -> (0, 0, 0)>
module attributes {stable_mosaic.version = 14 : i64} {
  func.func @_sc_gather(%arg0: i32, %arg1: i32, %arg2: memref<253952x128xf32, #tpu.memory_space<hbm>>, %arg3: memref<50356x32xf32, #tpu.memory_space<hbm>>, %arg4: memref<1888x16xf32, #tpu.memory_space<hbm>>, %arg5: memref<128x128xi32, #tpu.memory_space<hbm>>, %arg6: memref<128x128xi32, #tpu.memory_space<hbm>>, %arg7: memref<128x128xi32, #tpu.memory_space<hbm>>, %arg8: memref<128x128xi32, #tpu.memory_space<hbm>>, %arg9: memref<128x128xi32, #tpu.memory_space<hbm>>, %arg10: memref<128x128xi32, #tpu.memory_space<hbm>>, %arg11: memref<128x128xi32, #tpu.memory_space<hbm>>, %arg12: memref<16384x128xf32, #tpu.memory_space<hbm>>, %arg13: memref<16384x32xf32, #tpu.memory_space<hbm>>, %arg14: memref<5x16384x16xf32, #tpu.memory_space<hbm>>, %arg15: memref<4x128xi32, #tpu.memory_space<vmem>>, %arg16: memref<4x128xi32, #tpu.memory_space<vmem>>, %arg17: memref<4x128xi32, #tpu.memory_space<vmem>>, %arg18: memref<4x128xi32, #tpu.memory_space<vmem>>, %arg19: memref<4x128xi32, #tpu.memory_space<vmem>>, %arg20: memref<4x128xi32, #tpu.memory_space<vmem>>, %arg21: memref<4x128xi32, #tpu.memory_space<vmem>>, %arg22: memref<512x128xf32, #tpu.memory_space<vmem>>, %arg23: memref<512x32xf32, #tpu.memory_space<vmem>>, %arg24: memref<512x16xf32, #tpu.memory_space<vmem>>, %arg25: memref<512x16xf32, #tpu.memory_space<vmem>>, %arg26: memref<512x16xf32, #tpu.memory_space<vmem>>, %arg27: memref<512x16xf32, #tpu.memory_space<vmem>>, %arg28: memref<512x16xf32, #tpu.memory_space<vmem>>, %arg29: memref<!tpu.dma_semaphore, #tpu.memory_space<semaphore_mem>>, %arg30: memref<!tpu.dma_semaphore, #tpu.memory_space<semaphore_mem>>, %arg31: memref<!tpu.dma_semaphore, #tpu.memory_space<semaphore_mem>>) attributes {dimension_semantics = [#tpu.dimension_semantics<core_parallel>, #tpu.dimension_semantics<subcore_parallel>], iteration_bounds = array<i64: 2, 16>, scalar_prefetch = 0 : i64, scratch_operands = 17 : i64, tpu.core_type = #tpu.core_type<sc_vector_subcore>, window_params = [{transform_indices = #map}, {transform_indices = #map}, {transform_indices = #map}, {transform_indices = #map}, {transform_indices = #map}, {transform_indices = #map}, {transform_indices = #map}, {transform_indices = #map}, {transform_indices = #map}, {transform_indices = #map}, {transform_indices = #map}, {transform_indices = #map}, {transform_indices = #map1}]} {
    %mul3A = arith.constant 2 : i32
    %mul3A_0 = arith.muli %arg1, %mul3A : i32
    %add3A = arith.addi %mul3A_0, %arg0 : i32
    %mul3A_1 = arith.constant 512 : i32
    %mul3A_2 = arith.muli %add3A, %mul3A_1 : i32
    %mul3A_3 = arith.constant 4 : i32
    %mul3A_4 = arith.muli %add3A, %mul3A_3 : i32
    %dma_start3A = arith.constant 0 : i32
    %dma_start3A_5 = tpu.memref_slice %arg5[%mul3A_4, %dma_start3A] : memref<128x128xi32, #tpu.memory_space<hbm>> -> memref<4x128xi32, #tpu.memory_space<hbm>>
    %dma_start3A_6 = arith.constant 0 : i32
    %dma_start3A_7 = tpu.memref_slice %arg5[%mul3A_4, %dma_start3A_6] : memref<128x128xi32, #tpu.memory_space<hbm>> -> memref<4x128xi32, #tpu.memory_space<hbm>>
    tpu.enqueue_dma source(%dma_start3A_7 : memref<4x128xi32, #tpu.memory_space<hbm>>) target(%arg15 : memref<4x128xi32, #tpu.memory_space<vmem>>) target_semaphore(%arg29 : memref<!tpu.dma_semaphore, #tpu.memory_space<semaphore_mem>>)
    %dma_start3A_8 = arith.constant 0 : i32
    %dma_start3A_9 = tpu.memref_slice %arg6[%mul3A_4, %dma_start3A_8] : memref<128x128xi32, #tpu.memory_space<hbm>> -> memref<4x128xi32, #tpu.memory_space<hbm>>
    %dma_start3A_10 = arith.constant 0 : i32
    %dma_start3A_11 = tpu.memref_slice %arg6[%mul3A_4, %dma_start3A_10] : memref<128x128xi32, #tpu.memory_space<hbm>> -> memref<4x128xi32, #tpu.memory_space<hbm>>
    tpu.enqueue_dma source(%dma_start3A_11 : memref<4x128xi32, #tpu.memory_space<hbm>>) target(%arg16 : memref<4x128xi32, #tpu.memory_space<vmem>>) target_semaphore(%arg29 : memref<!tpu.dma_semaphore, #tpu.memory_space<semaphore_mem>>)
    %dma_start3A_12 = arith.constant 0 : i32
    %dma_start3A_13 = tpu.memref_slice %arg7[%mul3A_4, %dma_start3A_12] : memref<128x128xi32, #tpu.memory_space<hbm>> -> memref<4x128xi32, #tpu.memory_space<hbm>>
    %dma_start3A_14 = arith.constant 0 : i32
    %dma_start3A_15 = tpu.memref_slice %arg7[%mul3A_4, %dma_start3A_14] : memref<128x128xi32, #tpu.memory_space<hbm>> -> memref<4x128xi32, #tpu.memory_space<hbm>>
    tpu.enqueue_dma source(%dma_start3A_15 : memref<4x128xi32, #tpu.memory_space<hbm>>) target(%arg17 : memref<4x128xi32, #tpu.memory_space<vmem>>) target_semaphore(%arg29 : memref<!tpu.dma_semaphore, #tpu.memory_space<semaphore_mem>>)
    %dma_start3A_16 = arith.constant 0 : i32
    %dma_start3A_17 = tpu.memref_slice %arg8[%mul3A_4, %dma_start3A_16] : memref<128x128xi32, #tpu.memory_space<hbm>> -> memref<4x128xi32, #tpu.memory_space<hbm>>
    %dma_start3A_18 = arith.constant 0 : i32
    %dma_start3A_19 = tpu.memref_slice %arg8[%mul3A_4, %dma_start3A_18] : memref<128x128xi32, #tpu.memory_space<hbm>> -> memref<4x128xi32, #tpu.memory_space<hbm>>
    tpu.enqueue_dma source(%dma_start3A_19 : memref<4x128xi32, #tpu.memory_space<hbm>>) target(%arg18 : memref<4x128xi32, #tpu.memory_space<vmem>>) target_semaphore(%arg29 : memref<!tpu.dma_semaphore, #tpu.memory_space<semaphore_mem>>)
    %dma_start3A_20 = arith.constant 0 : i32
    %dma_start3A_21 = tpu.memref_slice %arg9[%mul3A_4, %dma_start3A_20] : memref<128x128xi32, #tpu.memory_space<hbm>> -> memref<4x128xi32, #tpu.memory_space<hbm>>
    %dma_start3A_22 = arith.constant 0 : i32
    %dma_start3A_23 = tpu.memref_slice %arg9[%mul3A_4, %dma_start3A_22] : memref<128x128xi32, #tpu.memory_space<hbm>> -> memref<4x128xi32, #tpu.memory_space<hbm>>
    tpu.enqueue_dma source(%dma_start3A_23 : memref<4x128xi32, #tpu.memory_space<hbm>>) target(%arg19 : memref<4x128xi32, #tpu.memory_space<vmem>>) target_semaphore(%arg29 : memref<!tpu.dma_semaphore, #tpu.memory_space<semaphore_mem>>)
    %dma_start3A_24 = arith.constant 0 : i32
    %dma_start3A_25 = tpu.memref_slice %arg10[%mul3A_4, %dma_start3A_24] : memref<128x128xi32, #tpu.memory_space<hbm>> -> memref<4x128xi32, #tpu.memory_space<hbm>>
    %dma_start3A_26 = arith.constant 0 : i32
    %dma_start3A_27 = tpu.memref_slice %arg10[%mul3A_4, %dma_start3A_26] : memref<128x128xi32, #tpu.memory_space<hbm>> -> memref<4x128xi32, #tpu.memory_space<hbm>>
    tpu.enqueue_dma source(%dma_start3A_27 : memref<4x128xi32, #tpu.memory_space<hbm>>) target(%arg20 : memref<4x128xi32, #tpu.memory_space<vmem>>) target_semaphore(%arg29 : memref<!tpu.dma_semaphore, #tpu.memory_space<semaphore_mem>>)
    %dma_start3A_28 = arith.constant 0 : i32
    %dma_start3A_29 = tpu.memref_slice %arg11[%mul3A_4, %dma_start3A_28] : memref<128x128xi32, #tpu.memory_space<hbm>> -> memref<4x128xi32, #tpu.memory_space<hbm>>
    %dma_start3A_30 = arith.constant 0 : i32
    %dma_start3A_31 = tpu.memref_slice %arg11[%mul3A_4, %dma_start3A_30] : memref<128x128xi32, #tpu.memory_space<hbm>> -> memref<4x128xi32, #tpu.memory_space<hbm>>
    tpu.enqueue_dma source(%dma_start3A_31 : memref<4x128xi32, #tpu.memory_space<hbm>>) target(%arg21 : memref<4x128xi32, #tpu.memory_space<vmem>>) target_semaphore(%arg29 : memref<!tpu.dma_semaphore, #tpu.memory_space<semaphore_mem>>)
    %dma_wait3A = arith.constant 0 : i32
    %dma_wait3A_32 = tpu.memref_slice %arg5[%mul3A_4, %dma_wait3A] : memref<128x128xi32, #tpu.memory_space<hbm>> -> memref<4x128xi32, #tpu.memory_space<hbm>>
    %dma_wait3A_33 = arith.constant 0 : i32
    %dma_wait3A_34 = tpu.memref_slice %arg5[%mul3A_4, %dma_wait3A_33] : memref<128x128xi32, #tpu.memory_space<hbm>> -> memref<4x128xi32, #tpu.memory_space<hbm>>
    tpu.wait_dma2 semaphore(%arg29 : memref<!tpu.dma_semaphore, #tpu.memory_space<semaphore_mem>>) src(%dma_wait3A_34 : memref<4x128xi32, #tpu.memory_space<hbm>>) dst(%arg15 : memref<4x128xi32, #tpu.memory_space<vmem>>)
    %dma_wait3A_35 = arith.constant 0 : i32
    %dma_wait3A_36 = tpu.memref_slice %arg6[%mul3A_4, %dma_wait3A_35] : memref<128x128xi32, #tpu.memory_space<hbm>> -> memref<4x128xi32, #tpu.memory_space<hbm>>
    %dma_wait3A_37 = arith.constant 0 : i32
    %dma_wait3A_38 = tpu.memref_slice %arg6[%mul3A_4, %dma_wait3A_37] : memref<128x128xi32, #tpu.memory_space<hbm>> -> memref<4x128xi32, #tpu.memory_space<hbm>>
    tpu.wait_dma2 semaphore(%arg29 : memref<!tpu.dma_semaphore, #tpu.memory_space<semaphore_mem>>) src(%dma_wait3A_38 : memref<4x128xi32, #tpu.memory_space<hbm>>) dst(%arg16 : memref<4x128xi32, #tpu.memory_space<vmem>>)
    %dma_wait3A_39 = arith.constant 0 : i32
    %dma_wait3A_40 = tpu.memref_slice %arg7[%mul3A_4, %dma_wait3A_39] : memref<128x128xi32, #tpu.memory_space<hbm>> -> memref<4x128xi32, #tpu.memory_space<hbm>>
    %dma_wait3A_41 = arith.constant 0 : i32
    %dma_wait3A_42 = tpu.memref_slice %arg7[%mul3A_4, %dma_wait3A_41] : memref<128x128xi32, #tpu.memory_space<hbm>> -> memref<4x128xi32, #tpu.memory_space<hbm>>
    tpu.wait_dma2 semaphore(%arg29 : memref<!tpu.dma_semaphore, #tpu.memory_space<semaphore_mem>>) src(%dma_wait3A_42 : memref<4x128xi32, #tpu.memory_space<hbm>>) dst(%arg17 : memref<4x128xi32, #tpu.memory_space<vmem>>)
    %dma_wait3A_43 = arith.constant 0 : i32
    %dma_wait3A_44 = tpu.memref_slice %arg8[%mul3A_4, %dma_wait3A_43] : memref<128x128xi32, #tpu.memory_space<hbm>> -> memref<4x128xi32, #tpu.memory_space<hbm>>
    %dma_wait3A_45 = arith.constant 0 : i32
    %dma_wait3A_46 = tpu.memref_slice %arg8[%mul3A_4, %dma_wait3A_45] : memref<128x128xi32, #tpu.memory_space<hbm>> -> memref<4x128xi32, #tpu.memory_space<hbm>>
    tpu.wait_dma2 semaphore(%arg29 : memref<!tpu.dma_semaphore, #tpu.memory_space<semaphore_mem>>) src(%dma_wait3A_46 : memref<4x128xi32, #tpu.memory_space<hbm>>) dst(%arg18 : memref<4x128xi32, #tpu.memory_space<vmem>>)
    %dma_wait3A_47 = arith.constant 0 : i32
    %dma_wait3A_48 = tpu.memref_slice %arg9[%mul3A_4, %dma_wait3A_47] : memref<128x128xi32, #tpu.memory_space<hbm>> -> memref<4x128xi32, #tpu.memory_space<hbm>>
    %dma_wait3A_49 = arith.constant 0 : i32
    %dma_wait3A_50 = tpu.memref_slice %arg9[%mul3A_4, %dma_wait3A_49] : memref<128x128xi32, #tpu.memory_space<hbm>> -> memref<4x128xi32, #tpu.memory_space<hbm>>
    tpu.wait_dma2 semaphore(%arg29 : memref<!tpu.dma_semaphore, #tpu.memory_space<semaphore_mem>>) src(%dma_wait3A_50 : memref<4x128xi32, #tpu.memory_space<hbm>>) dst(%arg19 : memref<4x128xi32, #tpu.memory_space<vmem>>)
    %dma_wait3A_51 = arith.constant 0 : i32
    %dma_wait3A_52 = tpu.memref_slice %arg10[%mul3A_4, %dma_wait3A_51] : memref<128x128xi32, #tpu.memory_space<hbm>> -> memref<4x128xi32, #tpu.memory_space<hbm>>
    %dma_wait3A_53 = arith.constant 0 : i32
    %dma_wait3A_54 = tpu.memref_slice %arg10[%mul3A_4, %dma_wait3A_53] : memref<128x128xi32, #tpu.memory_space<hbm>> -> memref<4x128xi32, #tpu.memory_space<hbm>>
    tpu.wait_dma2 semaphore(%arg29 : memref<!tpu.dma_semaphore, #tpu.memory_space<semaphore_mem>>) src(%dma_wait3A_54 : memref<4x128xi32, #tpu.memory_space<hbm>>) dst(%arg20 : memref<4x128xi32, #tpu.memory_space<vmem>>)
    %dma_wait3A_55 = arith.constant 0 : i32
    %dma_wait3A_56 = tpu.memref_slice %arg11[%mul3A_4, %dma_wait3A_55] : memref<128x128xi32, #tpu.memory_space<hbm>> -> memref<4x128xi32, #tpu.memory_space<hbm>>
    %dma_wait3A_57 = arith.constant 0 : i32
    %dma_wait3A_58 = tpu.memref_slice %arg11[%mul3A_4, %dma_wait3A_57] : memref<128x128xi32, #tpu.memory_space<hbm>> -> memref<4x128xi32, #tpu.memory_space<hbm>>
    tpu.wait_dma2 semaphore(%arg29 : memref<!tpu.dma_semaphore, #tpu.memory_space<semaphore_mem>>) src(%dma_wait3A_58 : memref<4x128xi32, #tpu.memory_space<hbm>>) dst(%arg21 : memref<4x128xi32, #tpu.memory_space<vmem>>)
    %dma_start3A_59 = arith.constant 0 : i32
    %dma_start3A_60 = arith.constant 0 : i32
    %dma_start3A_61 = arith.constant 0 : i32
    %dma_start3A_62 = tpu.memref_slice %arg22[%dma_start3A_60, %dma_start3A_61] : memref<512x128xf32, #tpu.memory_space<vmem>> -> memref<128x128xf32, #tpu.memory_space<vmem>>
    %dma_start3A_63 = arith.constant 0 : i32
    %dma_start3A_64 = tpu.memref_slice %arg15[%dma_start3A_59, %dma_start3A_63] : memref<4x128xi32, #tpu.memory_space<vmem>> -> memref<1x128xi32, #tpu.memory_space<vmem>>
    %dma_start3A_65 = tpu.memref_squeeze %dma_start3A_64 : memref<1x128xi32, #tpu.memory_space<vmem>> -> memref<128xi32, #tpu.memory_space<vmem>>
    %dma_start3A_66 = arith.constant 0 : i32
    %dma_start3A_67 = arith.constant 0 : i32
    %dma_start3A_68 = tpu.memref_slice %arg2[%dma_start3A_66, %dma_start3A_67] : memref<253952x128xf32, #tpu.memory_space<hbm>> -> memref<253952x128xf32, #tpu.memory_space<hbm>>
    tpu.enqueue_indirect_dma source(%dma_start3A_68 : memref<253952x128xf32, #tpu.memory_space<hbm>>) target(%dma_start3A_62 : memref<128x128xf32, #tpu.memory_space<vmem>>) offsets(%dma_start3A_65 : memref<128xi32, #tpu.memory_space<vmem>>) semaphore(%arg30 : memref<!tpu.dma_semaphore, #tpu.memory_space<semaphore_mem>>)
    %dma_start3A_69 = arith.constant 1 : i32
    %dma_start3A_70 = arith.constant 128 : i32
    %dma_start3A_71 = arith.constant 0 : i32
    %dma_start3A_72 = tpu.memref_slice %arg22[%dma_start3A_70, %dma_start3A_71] : memref<512x128xf32, #tpu.memory_space<vmem>> -> memref<128x128xf32, #tpu.memory_space<vmem>>
    %dma_start3A_73 = arith.constant 0 : i32
    %dma_start3A_74 = tpu.memref_slice %arg15[%dma_start3A_69, %dma_start3A_73] : memref<4x128xi32, #tpu.memory_space<vmem>> -> memref<1x128xi32, #tpu.memory_space<vmem>>
    %dma_start3A_75 = tpu.memref_squeeze %dma_start3A_74 : memref<1x128xi32, #tpu.memory_space<vmem>> -> memref<128xi32, #tpu.memory_space<vmem>>
    %dma_start3A_76 = arith.constant 0 : i32
    %dma_start3A_77 = arith.constant 0 : i32
    %dma_start3A_78 = tpu.memref_slice %arg2[%dma_start3A_76, %dma_start3A_77] : memref<253952x128xf32, #tpu.memory_space<hbm>> -> memref<253952x128xf32, #tpu.memory_space<hbm>>
    tpu.enqueue_indirect_dma source(%dma_start3A_78 : memref<253952x128xf32, #tpu.memory_space<hbm>>) target(%dma_start3A_72 : memref<128x128xf32, #tpu.memory_space<vmem>>) offsets(%dma_start3A_75 : memref<128xi32, #tpu.memory_space<vmem>>) semaphore(%arg30 : memref<!tpu.dma_semaphore, #tpu.memory_space<semaphore_mem>>)
    %dma_start3A_79 = arith.constant 2 : i32
    %dma_start3A_80 = arith.constant 256 : i32
    %dma_start3A_81 = arith.constant 0 : i32
    %dma_start3A_82 = tpu.memref_slice %arg22[%dma_start3A_80, %dma_start3A_81] : memref<512x128xf32, #tpu.memory_space<vmem>> -> memref<128x128xf32, #tpu.memory_space<vmem>>
    %dma_start3A_83 = arith.constant 0 : i32
    %dma_start3A_84 = tpu.memref_slice %arg15[%dma_start3A_79, %dma_start3A_83] : memref<4x128xi32, #tpu.memory_space<vmem>> -> memref<1x128xi32, #tpu.memory_space<vmem>>
    %dma_start3A_85 = tpu.memref_squeeze %dma_start3A_84 : memref<1x128xi32, #tpu.memory_space<vmem>> -> memref<128xi32, #tpu.memory_space<vmem>>
    %dma_start3A_86 = arith.constant 0 : i32
    %dma_start3A_87 = arith.constant 0 : i32
    %dma_start3A_88 = tpu.memref_slice %arg2[%dma_start3A_86, %dma_start3A_87] : memref<253952x128xf32, #tpu.memory_space<hbm>> -> memref<253952x128xf32, #tpu.memory_space<hbm>>
    tpu.enqueue_indirect_dma source(%dma_start3A_88 : memref<253952x128xf32, #tpu.memory_space<hbm>>) target(%dma_start3A_82 : memref<128x128xf32, #tpu.memory_space<vmem>>) offsets(%dma_start3A_85 : memref<128xi32, #tpu.memory_space<vmem>>) semaphore(%arg30 : memref<!tpu.dma_semaphore, #tpu.memory_space<semaphore_mem>>)
    %dma_start3A_89 = arith.constant 3 : i32
    %dma_start3A_90 = arith.constant 384 : i32
    %dma_start3A_91 = arith.constant 0 : i32
    %dma_start3A_92 = tpu.memref_slice %arg22[%dma_start3A_90, %dma_start3A_91] : memref<512x128xf32, #tpu.memory_space<vmem>> -> memref<128x128xf32, #tpu.memory_space<vmem>>
    %dma_start3A_93 = arith.constant 0 : i32
    %dma_start3A_94 = tpu.memref_slice %arg15[%dma_start3A_89, %dma_start3A_93] : memref<4x128xi32, #tpu.memory_space<vmem>> -> memref<1x128xi32, #tpu.memory_space<vmem>>
    %dma_start3A_95 = tpu.memref_squeeze %dma_start3A_94 : memref<1x128xi32, #tpu.memory_space<vmem>> -> memref<128xi32, #tpu.memory_space<vmem>>
    %dma_start3A_96 = arith.constant 0 : i32
    %dma_start3A_97 = arith.constant 0 : i32
    %dma_start3A_98 = tpu.memref_slice %arg2[%dma_start3A_96, %dma_start3A_97] : memref<253952x128xf32, #tpu.memory_space<hbm>> -> memref<253952x128xf32, #tpu.memory_space<hbm>>
    tpu.enqueue_indirect_dma source(%dma_start3A_98 : memref<253952x128xf32, #tpu.memory_space<hbm>>) target(%dma_start3A_92 : memref<128x128xf32, #tpu.memory_space<vmem>>) offsets(%dma_start3A_95 : memref<128xi32, #tpu.memory_space<vmem>>) semaphore(%arg30 : memref<!tpu.dma_semaphore, #tpu.memory_space<semaphore_mem>>)
    %dma_start3A_99 = arith.constant 0 : i32
    %dma_start3A_100 = arith.constant 0 : i32
    %dma_start3A_101 = arith.constant 0 : i32
    %dma_start3A_102 = tpu.memref_slice %arg23[%dma_start3A_100, %dma_start3A_101] : memref<512x32xf32, #tpu.memory_space<vmem>> -> memref<128x32xf32, #tpu.memory_space<vmem>>
    %dma_start3A_103 = arith.constant 0 : i32
    %dma_start3A_104 = tpu.memref_slice %arg16[%dma_start3A_99, %dma_start3A_103] : memref<4x128xi32, #tpu.memory_space<vmem>> -> memref<1x128xi32, #tpu.memory_space<vmem>>
    %dma_start3A_105 = tpu.memref_squeeze %dma_start3A_104 : memref<1x128xi32, #tpu.memory_space<vmem>> -> memref<128xi32, #tpu.memory_space<vmem>>
    %dma_start3A_106 = arith.constant 0 : i32
    %dma_start3A_107 = arith.constant 0 : i32
    %dma_start3A_108 = tpu.memref_slice %arg3[%dma_start3A_106, %dma_start3A_107] : memref<50356x32xf32, #tpu.memory_space<hbm>> -> memref<50356x32xf32, #tpu.memory_space<hbm>>
    tpu.enqueue_indirect_dma source(%dma_start3A_108 : memref<50356x32xf32, #tpu.memory_space<hbm>>) target(%dma_start3A_102 : memref<128x32xf32, #tpu.memory_space<vmem>>) offsets(%dma_start3A_105 : memref<128xi32, #tpu.memory_space<vmem>>) semaphore(%arg30 : memref<!tpu.dma_semaphore, #tpu.memory_space<semaphore_mem>>)
    %dma_start3A_109 = arith.constant 1 : i32
    %dma_start3A_110 = arith.constant 128 : i32
    %dma_start3A_111 = arith.constant 0 : i32
    %dma_start3A_112 = tpu.memref_slice %arg23[%dma_start3A_110, %dma_start3A_111] : memref<512x32xf32, #tpu.memory_space<vmem>> -> memref<128x32xf32, #tpu.memory_space<vmem>>
    %dma_start3A_113 = arith.constant 0 : i32
    %dma_start3A_114 = tpu.memref_slice %arg16[%dma_start3A_109, %dma_start3A_113] : memref<4x128xi32, #tpu.memory_space<vmem>> -> memref<1x128xi32, #tpu.memory_space<vmem>>
    %dma_start3A_115 = tpu.memref_squeeze %dma_start3A_114 : memref<1x128xi32, #tpu.memory_space<vmem>> -> memref<128xi32, #tpu.memory_space<vmem>>
    %dma_start3A_116 = arith.constant 0 : i32
    %dma_start3A_117 = arith.constant 0 : i32
    %dma_start3A_118 = tpu.memref_slice %arg3[%dma_start3A_116, %dma_start3A_117] : memref<50356x32xf32, #tpu.memory_space<hbm>> -> memref<50356x32xf32, #tpu.memory_space<hbm>>
    tpu.enqueue_indirect_dma source(%dma_start3A_118 : memref<50356x32xf32, #tpu.memory_space<hbm>>) target(%dma_start3A_112 : memref<128x32xf32, #tpu.memory_space<vmem>>) offsets(%dma_start3A_115 : memref<128xi32, #tpu.memory_space<vmem>>) semaphore(%arg30 : memref<!tpu.dma_semaphore, #tpu.memory_space<semaphore_mem>>)
    %dma_start3A_119 = arith.constant 2 : i32
    %dma_start3A_120 = arith.constant 256 : i32
    %dma_start3A_121 = arith.constant 0 : i32
    %dma_start3A_122 = tpu.memref_slice %arg23[%dma_start3A_120, %dma_start3A_121] : memref<512x32xf32, #tpu.memory_space<vmem>> -> memref<128x32xf32, #tpu.memory_space<vmem>>
    %dma_start3A_123 = arith.constant 0 : i32
    %dma_start3A_124 = tpu.memref_slice %arg16[%dma_start3A_119, %dma_start3A_123] : memref<4x128xi32, #tpu.memory_space<vmem>> -> memref<1x128xi32, #tpu.memory_space<vmem>>
    %dma_start3A_125 = tpu.memref_squeeze %dma_start3A_124 : memref<1x128xi32, #tpu.memory_space<vmem>> -> memref<128xi32, #tpu.memory_space<vmem>>
    %dma_start3A_126 = arith.constant 0 : i32
    %dma_start3A_127 = arith.constant 0 : i32
    %dma_start3A_128 = tpu.memref_slice %arg3[%dma_start3A_126, %dma_start3A_127] : memref<50356x32xf32, #tpu.memory_space<hbm>> -> memref<50356x32xf32, #tpu.memory_space<hbm>>
    tpu.enqueue_indirect_dma source(%dma_start3A_128 : memref<50356x32xf32, #tpu.memory_space<hbm>>) target(%dma_start3A_122 : memref<128x32xf32, #tpu.memory_space<vmem>>) offsets(%dma_start3A_125 : memref<128xi32, #tpu.memory_space<vmem>>) semaphore(%arg30 : memref<!tpu.dma_semaphore, #tpu.memory_space<semaphore_mem>>)
    %dma_start3A_129 = arith.constant 3 : i32
    %dma_start3A_130 = arith.constant 384 : i32
    %dma_start3A_131 = arith.constant 0 : i32
    %dma_start3A_132 = tpu.memref_slice %arg23[%dma_start3A_130, %dma_start3A_131] : memref<512x32xf32, #tpu.memory_space<vmem>> -> memref<128x32xf32, #tpu.memory_space<vmem>>
    %dma_start3A_133 = arith.constant 0 : i32
    %dma_start3A_134 = tpu.memref_slice %arg16[%dma_start3A_129, %dma_start3A_133] : memref<4x128xi32, #tpu.memory_space<vmem>> -> memref<1x128xi32, #tpu.memory_space<vmem>>
    %dma_start3A_135 = tpu.memref_squeeze %dma_start3A_134 : memref<1x128xi32, #tpu.memory_space<vmem>> -> memref<128xi32, #tpu.memory_space<vmem>>
    %dma_start3A_136 = arith.constant 0 : i32
    %dma_start3A_137 = arith.constant 0 : i32
    %dma_start3A_138 = tpu.memref_slice %arg3[%dma_start3A_136, %dma_start3A_137] : memref<50356x32xf32, #tpu.memory_space<hbm>> -> memref<50356x32xf32, #tpu.memory_space<hbm>>
    tpu.enqueue_indirect_dma source(%dma_start3A_138 : memref<50356x32xf32, #tpu.memory_space<hbm>>) target(%dma_start3A_132 : memref<128x32xf32, #tpu.memory_space<vmem>>) offsets(%dma_start3A_135 : memref<128xi32, #tpu.memory_space<vmem>>) semaphore(%arg30 : memref<!tpu.dma_semaphore, #tpu.memory_space<semaphore_mem>>)
    %dma_start3A_139 = arith.constant 0 : i32
    %dma_start3A_140 = arith.constant 0 : i32
    %dma_start3A_141 = arith.constant 0 : i32
    %dma_start3A_142 = tpu.memref_slice %arg24[%dma_start3A_140, %dma_start3A_141] : memref<512x16xf32, #tpu.memory_space<vmem>> -> memref<128x16xf32, #tpu.memory_space<vmem>>
    %dma_start3A_143 = arith.constant 0 : i32
    %dma_start3A_144 = tpu.memref_slice %arg17[%dma_start3A_139, %dma_start3A_143] : memref<4x128xi32, #tpu.memory_space<vmem>> -> memref<1x128xi32, #tpu.memory_space<vmem>>
    %dma_start3A_145 = tpu.memref_squeeze %dma_start3A_144 : memref<1x128xi32, #tpu.memory_space<vmem>> -> memref<128xi32, #tpu.memory_space<vmem>>
    %dma_start3A_146 = arith.constant 0 : i32
    %dma_start3A_147 = arith.constant 0 : i32
    %dma_start3A_148 = tpu.memref_slice %arg4[%dma_start3A_146, %dma_start3A_147] : memref<1888x16xf32, #tpu.memory_space<hbm>> -> memref<1888x16xf32, #tpu.memory_space<hbm>>
    tpu.enqueue_indirect_dma source(%dma_start3A_148 : memref<1888x16xf32, #tpu.memory_space<hbm>>) target(%dma_start3A_142 : memref<128x16xf32, #tpu.memory_space<vmem>>) offsets(%dma_start3A_145 : memref<128xi32, #tpu.memory_space<vmem>>) semaphore(%arg30 : memref<!tpu.dma_semaphore, #tpu.memory_space<semaphore_mem>>)
    %dma_start3A_149 = arith.constant 1 : i32
    %dma_start3A_150 = arith.constant 128 : i32
    %dma_start3A_151 = arith.constant 0 : i32
    %dma_start3A_152 = tpu.memref_slice %arg24[%dma_start3A_150, %dma_start3A_151] : memref<512x16xf32, #tpu.memory_space<vmem>> -> memref<128x16xf32, #tpu.memory_space<vmem>>
    %dma_start3A_153 = arith.constant 0 : i32
    %dma_start3A_154 = tpu.memref_slice %arg17[%dma_start3A_149, %dma_start3A_153] : memref<4x128xi32, #tpu.memory_space<vmem>> -> memref<1x128xi32, #tpu.memory_space<vmem>>
    %dma_start3A_155 = tpu.memref_squeeze %dma_start3A_154 : memref<1x128xi32, #tpu.memory_space<vmem>> -> memref<128xi32, #tpu.memory_space<vmem>>
    %dma_start3A_156 = arith.constant 0 : i32
    %dma_start3A_157 = arith.constant 0 : i32
    %dma_start3A_158 = tpu.memref_slice %arg4[%dma_start3A_156, %dma_start3A_157] : memref<1888x16xf32, #tpu.memory_space<hbm>> -> memref<1888x16xf32, #tpu.memory_space<hbm>>
    tpu.enqueue_indirect_dma source(%dma_start3A_158 : memref<1888x16xf32, #tpu.memory_space<hbm>>) target(%dma_start3A_152 : memref<128x16xf32, #tpu.memory_space<vmem>>) offsets(%dma_start3A_155 : memref<128xi32, #tpu.memory_space<vmem>>) semaphore(%arg30 : memref<!tpu.dma_semaphore, #tpu.memory_space<semaphore_mem>>)
    %dma_start3A_159 = arith.constant 2 : i32
    %dma_start3A_160 = arith.constant 256 : i32
    %dma_start3A_161 = arith.constant 0 : i32
    %dma_start3A_162 = tpu.memref_slice %arg24[%dma_start3A_160, %dma_start3A_161] : memref<512x16xf32, #tpu.memory_space<vmem>> -> memref<128x16xf32, #tpu.memory_space<vmem>>
    %dma_start3A_163 = arith.constant 0 : i32
    %dma_start3A_164 = tpu.memref_slice %arg17[%dma_start3A_159, %dma_start3A_163] : memref<4x128xi32, #tpu.memory_space<vmem>> -> memref<1x128xi32, #tpu.memory_space<vmem>>
    %dma_start3A_165 = tpu.memref_squeeze %dma_start3A_164 : memref<1x128xi32, #tpu.memory_space<vmem>> -> memref<128xi32, #tpu.memory_space<vmem>>
    %dma_start3A_166 = arith.constant 0 : i32
    %dma_start3A_167 = arith.constant 0 : i32
    %dma_start3A_168 = tpu.memref_slice %arg4[%dma_start3A_166, %dma_start3A_167] : memref<1888x16xf32, #tpu.memory_space<hbm>> -> memref<1888x16xf32, #tpu.memory_space<hbm>>
    tpu.enqueue_indirect_dma source(%dma_start3A_168 : memref<1888x16xf32, #tpu.memory_space<hbm>>) target(%dma_start3A_162 : memref<128x16xf32, #tpu.memory_space<vmem>>) offsets(%dma_start3A_165 : memref<128xi32, #tpu.memory_space<vmem>>) semaphore(%arg30 : memref<!tpu.dma_semaphore, #tpu.memory_space<semaphore_mem>>)
    %dma_start3A_169 = arith.constant 3 : i32
    %dma_start3A_170 = arith.constant 384 : i32
    %dma_start3A_171 = arith.constant 0 : i32
    %dma_start3A_172 = tpu.memref_slice %arg24[%dma_start3A_170, %dma_start3A_171] : memref<512x16xf32, #tpu.memory_space<vmem>> -> memref<128x16xf32, #tpu.memory_space<vmem>>
    %dma_start3A_173 = arith.constant 0 : i32
    %dma_start3A_174 = tpu.memref_slice %arg17[%dma_start3A_169, %dma_start3A_173] : memref<4x128xi32, #tpu.memory_space<vmem>> -> memref<1x128xi32, #tpu.memory_space<vmem>>
    %dma_start3A_175 = tpu.memref_squeeze %dma_start3A_174 : memref<1x128xi32, #tpu.memory_space<vmem>> -> memref<128xi32, #tpu.memory_space<vmem>>
    %dma_start3A_176 = arith.constant 0 : i32
    %dma_start3A_177 = arith.constant 0 : i32
    %dma_start3A_178 = tpu.memref_slice %arg4[%dma_start3A_176, %dma_start3A_177] : memref<1888x16xf32, #tpu.memory_space<hbm>> -> memref<1888x16xf32, #tpu.memory_space<hbm>>
    tpu.enqueue_indirect_dma source(%dma_start3A_178 : memref<1888x16xf32, #tpu.memory_space<hbm>>) target(%dma_start3A_172 : memref<128x16xf32, #tpu.memory_space<vmem>>) offsets(%dma_start3A_175 : memref<128xi32, #tpu.memory_space<vmem>>) semaphore(%arg30 : memref<!tpu.dma_semaphore, #tpu.memory_space<semaphore_mem>>)
    %dma_start3A_179 = arith.constant 0 : i32
    %dma_start3A_180 = arith.constant 0 : i32
    %dma_start3A_181 = arith.constant 0 : i32
    %dma_start3A_182 = tpu.memref_slice %arg25[%dma_start3A_180, %dma_start3A_181] : memref<512x16xf32, #tpu.memory_space<vmem>> -> memref<128x16xf32, #tpu.memory_space<vmem>>
    %dma_start3A_183 = arith.constant 0 : i32
    %dma_start3A_184 = tpu.memref_slice %arg18[%dma_start3A_179, %dma_start3A_183] : memref<4x128xi32, #tpu.memory_space<vmem>> -> memref<1x128xi32, #tpu.memory_space<vmem>>
    %dma_start3A_185 = tpu.memref_squeeze %dma_start3A_184 : memref<1x128xi32, #tpu.memory_space<vmem>> -> memref<128xi32, #tpu.memory_space<vmem>>
    %dma_start3A_186 = arith.constant 0 : i32
    %dma_start3A_187 = arith.constant 0 : i32
    %dma_start3A_188 = tpu.memref_slice %arg4[%dma_start3A_186, %dma_start3A_187] : memref<1888x16xf32, #tpu.memory_space<hbm>> -> memref<1888x16xf32, #tpu.memory_space<hbm>>
    tpu.enqueue_indirect_dma source(%dma_start3A_188 : memref<1888x16xf32, #tpu.memory_space<hbm>>) target(%dma_start3A_182 : memref<128x16xf32, #tpu.memory_space<vmem>>) offsets(%dma_start3A_185 : memref<128xi32, #tpu.memory_space<vmem>>) semaphore(%arg30 : memref<!tpu.dma_semaphore, #tpu.memory_space<semaphore_mem>>)
    %dma_start3A_189 = arith.constant 1 : i32
    %dma_start3A_190 = arith.constant 128 : i32
    %dma_start3A_191 = arith.constant 0 : i32
    %dma_start3A_192 = tpu.memref_slice %arg25[%dma_start3A_190, %dma_start3A_191] : memref<512x16xf32, #tpu.memory_space<vmem>> -> memref<128x16xf32, #tpu.memory_space<vmem>>
    %dma_start3A_193 = arith.constant 0 : i32
    %dma_start3A_194 = tpu.memref_slice %arg18[%dma_start3A_189, %dma_start3A_193] : memref<4x128xi32, #tpu.memory_space<vmem>> -> memref<1x128xi32, #tpu.memory_space<vmem>>
    %dma_start3A_195 = tpu.memref_squeeze %dma_start3A_194 : memref<1x128xi32, #tpu.memory_space<vmem>> -> memref<128xi32, #tpu.memory_space<vmem>>
    %dma_start3A_196 = arith.constant 0 : i32
    %dma_start3A_197 = arith.constant 0 : i32
    %dma_start3A_198 = tpu.memref_slice %arg4[%dma_start3A_196, %dma_start3A_197] : memref<1888x16xf32, #tpu.memory_space<hbm>> -> memref<1888x16xf32, #tpu.memory_space<hbm>>
    tpu.enqueue_indirect_dma source(%dma_start3A_198 : memref<1888x16xf32, #tpu.memory_space<hbm>>) target(%dma_start3A_192 : memref<128x16xf32, #tpu.memory_space<vmem>>) offsets(%dma_start3A_195 : memref<128xi32, #tpu.memory_space<vmem>>) semaphore(%arg30 : memref<!tpu.dma_semaphore, #tpu.memory_space<semaphore_mem>>)
    %dma_start3A_199 = arith.constant 2 : i32
    %dma_start3A_200 = arith.constant 256 : i32
    %dma_start3A_201 = arith.constant 0 : i32
    %dma_start3A_202 = tpu.memref_slice %arg25[%dma_start3A_200, %dma_start3A_201] : memref<512x16xf32, #tpu.memory_space<vmem>> -> memref<128x16xf32, #tpu.memory_space<vmem>>
    %dma_start3A_203 = arith.constant 0 : i32
    %dma_start3A_204 = tpu.memref_slice %arg18[%dma_start3A_199, %dma_start3A_203] : memref<4x128xi32, #tpu.memory_space<vmem>> -> memref<1x128xi32, #tpu.memory_space<vmem>>
    %dma_start3A_205 = tpu.memref_squeeze %dma_start3A_204 : memref<1x128xi32, #tpu.memory_space<vmem>> -> memref<128xi32, #tpu.memory_space<vmem>>
    %dma_start3A_206 = arith.constant 0 : i32
    %dma_start3A_207 = arith.constant 0 : i32
    %dma_start3A_208 = tpu.memref_slice %arg4[%dma_start3A_206, %dma_start3A_207] : memref<1888x16xf32, #tpu.memory_space<hbm>> -> memref<1888x16xf32, #tpu.memory_space<hbm>>
    tpu.enqueue_indirect_dma source(%dma_start3A_208 : memref<1888x16xf32, #tpu.memory_space<hbm>>) target(%dma_start3A_202 : memref<128x16xf32, #tpu.memory_space<vmem>>) offsets(%dma_start3A_205 : memref<128xi32, #tpu.memory_space<vmem>>) semaphore(%arg30 : memref<!tpu.dma_semaphore, #tpu.memory_space<semaphore_mem>>)
    %dma_start3A_209 = arith.constant 3 : i32
    %dma_start3A_210 = arith.constant 384 : i32
    %dma_start3A_211 = arith.constant 0 : i32
    %dma_start3A_212 = tpu.memref_slice %arg25[%dma_start3A_210, %dma_start3A_211] : memref<512x16xf32, #tpu.memory_space<vmem>> -> memref<128x16xf32, #tpu.memory_space<vmem>>
    %dma_start3A_213 = arith.constant 0 : i32
    %dma_start3A_214 = tpu.memref_slice %arg18[%dma_start3A_209, %dma_start3A_213] : memref<4x128xi32, #tpu.memory_space<vmem>> -> memref<1x128xi32, #tpu.memory_space<vmem>>
    %dma_start3A_215 = tpu.memref_squeeze %dma_start3A_214 : memref<1x128xi32, #tpu.memory_space<vmem>> -> memref<128xi32, #tpu.memory_space<vmem>>
    %dma_start3A_216 = arith.constant 0 : i32
    %dma_start3A_217 = arith.constant 0 : i32
    %dma_start3A_218 = tpu.memref_slice %arg4[%dma_start3A_216, %dma_start3A_217] : memref<1888x16xf32, #tpu.memory_space<hbm>> -> memref<1888x16xf32, #tpu.memory_space<hbm>>
    tpu.enqueue_indirect_dma source(%dma_start3A_218 : memref<1888x16xf32, #tpu.memory_space<hbm>>) target(%dma_start3A_212 : memref<128x16xf32, #tpu.memory_space<vmem>>) offsets(%dma_start3A_215 : memref<128xi32, #tpu.memory_space<vmem>>) semaphore(%arg30 : memref<!tpu.dma_semaphore, #tpu.memory_space<semaphore_mem>>)
    %dma_start3A_219 = arith.constant 0 : i32
    %dma_start3A_220 = arith.constant 0 : i32
    %dma_start3A_221 = arith.constant 0 : i32
    %dma_start3A_222 = tpu.memref_slice %arg26[%dma_start3A_220, %dma_start3A_221] : memref<512x16xf32, #tpu.memory_space<vmem>> -> memref<128x16xf32, #tpu.memory_space<vmem>>
    %dma_start3A_223 = arith.constant 0 : i32
    %dma_start3A_224 = tpu.memref_slice %arg19[%dma_start3A_219, %dma_start3A_223] : memref<4x128xi32, #tpu.memory_space<vmem>> -> memref<1x128xi32, #tpu.memory_space<vmem>>
    %dma_start3A_225 = tpu.memref_squeeze %dma_start3A_224 : memref<1x128xi32, #tpu.memory_space<vmem>> -> memref<128xi32, #tpu.memory_space<vmem>>
    %dma_start3A_226 = arith.constant 0 : i32
    %dma_start3A_227 = arith.constant 0 : i32
    %dma_start3A_228 = tpu.memref_slice %arg4[%dma_start3A_226, %dma_start3A_227] : memref<1888x16xf32, #tpu.memory_space<hbm>> -> memref<1888x16xf32, #tpu.memory_space<hbm>>
    tpu.enqueue_indirect_dma source(%dma_start3A_228 : memref<1888x16xf32, #tpu.memory_space<hbm>>) target(%dma_start3A_222 : memref<128x16xf32, #tpu.memory_space<vmem>>) offsets(%dma_start3A_225 : memref<128xi32, #tpu.memory_space<vmem>>) semaphore(%arg30 : memref<!tpu.dma_semaphore, #tpu.memory_space<semaphore_mem>>)
    %dma_start3A_229 = arith.constant 1 : i32
    %dma_start3A_230 = arith.constant 128 : i32
    %dma_start3A_231 = arith.constant 0 : i32
    %dma_start3A_232 = tpu.memref_slice %arg26[%dma_start3A_230, %dma_start3A_231] : memref<512x16xf32, #tpu.memory_space<vmem>> -> memref<128x16xf32, #tpu.memory_space<vmem>>
    %dma_start3A_233 = arith.constant 0 : i32
    %dma_start3A_234 = tpu.memref_slice %arg19[%dma_start3A_229, %dma_start3A_233] : memref<4x128xi32, #tpu.memory_space<vmem>> -> memref<1x128xi32, #tpu.memory_space<vmem>>
    %dma_start3A_235 = tpu.memref_squeeze %dma_start3A_234 : memref<1x128xi32, #tpu.memory_space<vmem>> -> memref<128xi32, #tpu.memory_space<vmem>>
    %dma_start3A_236 = arith.constant 0 : i32
    %dma_start3A_237 = arith.constant 0 : i32
    %dma_start3A_238 = tpu.memref_slice %arg4[%dma_start3A_236, %dma_start3A_237] : memref<1888x16xf32, #tpu.memory_space<hbm>> -> memref<1888x16xf32, #tpu.memory_space<hbm>>
    tpu.enqueue_indirect_dma source(%dma_start3A_238 : memref<1888x16xf32, #tpu.memory_space<hbm>>) target(%dma_start3A_232 : memref<128x16xf32, #tpu.memory_space<vmem>>) offsets(%dma_start3A_235 : memref<128xi32, #tpu.memory_space<vmem>>) semaphore(%arg30 : memref<!tpu.dma_semaphore, #tpu.memory_space<semaphore_mem>>)
    %dma_start3A_239 = arith.constant 2 : i32
    %dma_start3A_240 = arith.constant 256 : i32
    %dma_start3A_241 = arith.constant 0 : i32
    %dma_start3A_242 = tpu.memref_slice %arg26[%dma_start3A_240, %dma_start3A_241] : memref<512x16xf32, #tpu.memory_space<vmem>> -> memref<128x16xf32, #tpu.memory_space<vmem>>
    %dma_start3A_243 = arith.constant 0 : i32
    %dma_start3A_244 = tpu.memref_slice %arg19[%dma_start3A_239, %dma_start3A_243] : memref<4x128xi32, #tpu.memory_space<vmem>> -> memref<1x128xi32, #tpu.memory_space<vmem>>
    %dma_start3A_245 = tpu.memref_squeeze %dma_start3A_244 : memref<1x128xi32, #tpu.memory_space<vmem>> -> memref<128xi32, #tpu.memory_space<vmem>>
    %dma_start3A_246 = arith.constant 0 : i32
    %dma_start3A_247 = arith.constant 0 : i32
    %dma_start3A_248 = tpu.memref_slice %arg4[%dma_start3A_246, %dma_start3A_247] : memref<1888x16xf32, #tpu.memory_space<hbm>> -> memref<1888x16xf32, #tpu.memory_space<hbm>>
    tpu.enqueue_indirect_dma source(%dma_start3A_248 : memref<1888x16xf32, #tpu.memory_space<hbm>>) target(%dma_start3A_242 : memref<128x16xf32, #tpu.memory_space<vmem>>) offsets(%dma_start3A_245 : memref<128xi32, #tpu.memory_space<vmem>>) semaphore(%arg30 : memref<!tpu.dma_semaphore, #tpu.memory_space<semaphore_mem>>)
    %dma_start3A_249 = arith.constant 3 : i32
    %dma_start3A_250 = arith.constant 384 : i32
    %dma_start3A_251 = arith.constant 0 : i32
    %dma_start3A_252 = tpu.memref_slice %arg26[%dma_start3A_250, %dma_start3A_251] : memref<512x16xf32, #tpu.memory_space<vmem>> -> memref<128x16xf32, #tpu.memory_space<vmem>>
    %dma_start3A_253 = arith.constant 0 : i32
    %dma_start3A_254 = tpu.memref_slice %arg19[%dma_start3A_249, %dma_start3A_253] : memref<4x128xi32, #tpu.memory_space<vmem>> -> memref<1x128xi32, #tpu.memory_space<vmem>>
    %dma_start3A_255 = tpu.memref_squeeze %dma_start3A_254 : memref<1x128xi32, #tpu.memory_space<vmem>> -> memref<128xi32, #tpu.memory_space<vmem>>
    %dma_start3A_256 = arith.constant 0 : i32
    %dma_start3A_257 = arith.constant 0 : i32
    %dma_start3A_258 = tpu.memref_slice %arg4[%dma_start3A_256, %dma_start3A_257] : memref<1888x16xf32, #tpu.memory_space<hbm>> -> memref<1888x16xf32, #tpu.memory_space<hbm>>
    tpu.enqueue_indirect_dma source(%dma_start3A_258 : memref<1888x16xf32, #tpu.memory_space<hbm>>) target(%dma_start3A_252 : memref<128x16xf32, #tpu.memory_space<vmem>>) offsets(%dma_start3A_255 : memref<128xi32, #tpu.memory_space<vmem>>) semaphore(%arg30 : memref<!tpu.dma_semaphore, #tpu.memory_space<semaphore_mem>>)
    %dma_start3A_259 = arith.constant 0 : i32
    %dma_start3A_260 = arith.constant 0 : i32
    %dma_start3A_261 = arith.constant 0 : i32
    %dma_start3A_262 = tpu.memref_slice %arg27[%dma_start3A_260, %dma_start3A_261] : memref<512x16xf32, #tpu.memory_space<vmem>> -> memref<128x16xf32, #tpu.memory_space<vmem>>
    %dma_start3A_263 = arith.constant 0 : i32
    %dma_start3A_264 = tpu.memref_slice %arg20[%dma_start3A_259, %dma_start3A_263] : memref<4x128xi32, #tpu.memory_space<vmem>> -> memref<1x128xi32, #tpu.memory_space<vmem>>
    %dma_start3A_265 = tpu.memref_squeeze %dma_start3A_264 : memref<1x128xi32, #tpu.memory_space<vmem>> -> memref<128xi32, #tpu.memory_space<vmem>>
    %dma_start3A_266 = arith.constant 0 : i32
    %dma_start3A_267 = arith.constant 0 : i32
    %dma_start3A_268 = tpu.memref_slice %arg4[%dma_start3A_266, %dma_start3A_267] : memref<1888x16xf32, #tpu.memory_space<hbm>> -> memref<1888x16xf32, #tpu.memory_space<hbm>>
    tpu.enqueue_indirect_dma source(%dma_start3A_268 : memref<1888x16xf32, #tpu.memory_space<hbm>>) target(%dma_start3A_262 : memref<128x16xf32, #tpu.memory_space<vmem>>) offsets(%dma_start3A_265 : memref<128xi32, #tpu.memory_space<vmem>>) semaphore(%arg30 : memref<!tpu.dma_semaphore, #tpu.memory_space<semaphore_mem>>)
    %dma_start3A_269 = arith.constant 1 : i32
    %dma_start3A_270 = arith.constant 128 : i32
    %dma_start3A_271 = arith.constant 0 : i32
    %dma_start3A_272 = tpu.memref_slice %arg27[%dma_start3A_270, %dma_start3A_271] : memref<512x16xf32, #tpu.memory_space<vmem>> -> memref<128x16xf32, #tpu.memory_space<vmem>>
    %dma_start3A_273 = arith.constant 0 : i32
    %dma_start3A_274 = tpu.memref_slice %arg20[%dma_start3A_269, %dma_start3A_273] : memref<4x128xi32, #tpu.memory_space<vmem>> -> memref<1x128xi32, #tpu.memory_space<vmem>>
    %dma_start3A_275 = tpu.memref_squeeze %dma_start3A_274 : memref<1x128xi32, #tpu.memory_space<vmem>> -> memref<128xi32, #tpu.memory_space<vmem>>
    %dma_start3A_276 = arith.constant 0 : i32
    %dma_start3A_277 = arith.constant 0 : i32
    %dma_start3A_278 = tpu.memref_slice %arg4[%dma_start3A_276, %dma_start3A_277] : memref<1888x16xf32, #tpu.memory_space<hbm>> -> memref<1888x16xf32, #tpu.memory_space<hbm>>
    tpu.enqueue_indirect_dma source(%dma_start3A_278 : memref<1888x16xf32, #tpu.memory_space<hbm>>) target(%dma_start3A_272 : memref<128x16xf32, #tpu.memory_space<vmem>>) offsets(%dma_start3A_275 : memref<128xi32, #tpu.memory_space<vmem>>) semaphore(%arg30 : memref<!tpu.dma_semaphore, #tpu.memory_space<semaphore_mem>>)
    %dma_start3A_279 = arith.constant 2 : i32
    %dma_start3A_280 = arith.constant 256 : i32
    %dma_start3A_281 = arith.constant 0 : i32
    %dma_start3A_282 = tpu.memref_slice %arg27[%dma_start3A_280, %dma_start3A_281] : memref<512x16xf32, #tpu.memory_space<vmem>> -> memref<128x16xf32, #tpu.memory_space<vmem>>
    %dma_start3A_283 = arith.constant 0 : i32
    %dma_start3A_284 = tpu.memref_slice %arg20[%dma_start3A_279, %dma_start3A_283] : memref<4x128xi32, #tpu.memory_space<vmem>> -> memref<1x128xi32, #tpu.memory_space<vmem>>
    %dma_start3A_285 = tpu.memref_squeeze %dma_start3A_284 : memref<1x128xi32, #tpu.memory_space<vmem>> -> memref<128xi32, #tpu.memory_space<vmem>>
    %dma_start3A_286 = arith.constant 0 : i32
    %dma_start3A_287 = arith.constant 0 : i32
    %dma_start3A_288 = tpu.memref_slice %arg4[%dma_start3A_286, %dma_start3A_287] : memref<1888x16xf32, #tpu.memory_space<hbm>> -> memref<1888x16xf32, #tpu.memory_space<hbm>>
    tpu.enqueue_indirect_dma source(%dma_start3A_288 : memref<1888x16xf32, #tpu.memory_space<hbm>>) target(%dma_start3A_282 : memref<128x16xf32, #tpu.memory_space<vmem>>) offsets(%dma_start3A_285 : memref<128xi32, #tpu.memory_space<vmem>>) semaphore(%arg30 : memref<!tpu.dma_semaphore, #tpu.memory_space<semaphore_mem>>)
    %dma_start3A_289 = arith.constant 3 : i32
    %dma_start3A_290 = arith.constant 384 : i32
    %dma_start3A_291 = arith.constant 0 : i32
    %dma_start3A_292 = tpu.memref_slice %arg27[%dma_start3A_290, %dma_start3A_291] : memref<512x16xf32, #tpu.memory_space<vmem>> -> memref<128x16xf32, #tpu.memory_space<vmem>>
    %dma_start3A_293 = arith.constant 0 : i32
    %dma_start3A_294 = tpu.memref_slice %arg20[%dma_start3A_289, %dma_start3A_293] : memref<4x128xi32, #tpu.memory_space<vmem>> -> memref<1x128xi32, #tpu.memory_space<vmem>>
    %dma_start3A_295 = tpu.memref_squeeze %dma_start3A_294 : memref<1x128xi32, #tpu.memory_space<vmem>> -> memref<128xi32, #tpu.memory_space<vmem>>
    %dma_start3A_296 = arith.constant 0 : i32
    %dma_start3A_297 = arith.constant 0 : i32
    %dma_start3A_298 = tpu.memref_slice %arg4[%dma_start3A_296, %dma_start3A_297] : memref<1888x16xf32, #tpu.memory_space<hbm>> -> memref<1888x16xf32, #tpu.memory_space<hbm>>
    tpu.enqueue_indirect_dma source(%dma_start3A_298 : memref<1888x16xf32, #tpu.memory_space<hbm>>) target(%dma_start3A_292 : memref<128x16xf32, #tpu.memory_space<vmem>>) offsets(%dma_start3A_295 : memref<128xi32, #tpu.memory_space<vmem>>) semaphore(%arg30 : memref<!tpu.dma_semaphore, #tpu.memory_space<semaphore_mem>>)
    %dma_start3A_299 = arith.constant 0 : i32
    %dma_start3A_300 = arith.constant 0 : i32
    %dma_start3A_301 = arith.constant 0 : i32
    %dma_start3A_302 = tpu.memref_slice %arg28[%dma_start3A_300, %dma_start3A_301] : memref<512x16xf32, #tpu.memory_space<vmem>> -> memref<128x16xf32, #tpu.memory_space<vmem>>
    %dma_start3A_303 = arith.constant 0 : i32
    %dma_start3A_304 = tpu.memref_slice %arg21[%dma_start3A_299, %dma_start3A_303] : memref<4x128xi32, #tpu.memory_space<vmem>> -> memref<1x128xi32, #tpu.memory_space<vmem>>
    %dma_start3A_305 = tpu.memref_squeeze %dma_start3A_304 : memref<1x128xi32, #tpu.memory_space<vmem>> -> memref<128xi32, #tpu.memory_space<vmem>>
    %dma_start3A_306 = arith.constant 0 : i32
    %dma_start3A_307 = arith.constant 0 : i32
    %dma_start3A_308 = tpu.memref_slice %arg4[%dma_start3A_306, %dma_start3A_307] : memref<1888x16xf32, #tpu.memory_space<hbm>> -> memref<1888x16xf32, #tpu.memory_space<hbm>>
    tpu.enqueue_indirect_dma source(%dma_start3A_308 : memref<1888x16xf32, #tpu.memory_space<hbm>>) target(%dma_start3A_302 : memref<128x16xf32, #tpu.memory_space<vmem>>) offsets(%dma_start3A_305 : memref<128xi32, #tpu.memory_space<vmem>>) semaphore(%arg30 : memref<!tpu.dma_semaphore, #tpu.memory_space<semaphore_mem>>)
    %dma_start3A_309 = arith.constant 1 : i32
    %dma_start3A_310 = arith.constant 128 : i32
    %dma_start3A_311 = arith.constant 0 : i32
    %dma_start3A_312 = tpu.memref_slice %arg28[%dma_start3A_310, %dma_start3A_311] : memref<512x16xf32, #tpu.memory_space<vmem>> -> memref<128x16xf32, #tpu.memory_space<vmem>>
    %dma_start3A_313 = arith.constant 0 : i32
    %dma_start3A_314 = tpu.memref_slice %arg21[%dma_start3A_309, %dma_start3A_313] : memref<4x128xi32, #tpu.memory_space<vmem>> -> memref<1x128xi32, #tpu.memory_space<vmem>>
    %dma_start3A_315 = tpu.memref_squeeze %dma_start3A_314 : memref<1x128xi32, #tpu.memory_space<vmem>> -> memref<128xi32, #tpu.memory_space<vmem>>
    %dma_start3A_316 = arith.constant 0 : i32
    %dma_start3A_317 = arith.constant 0 : i32
    %dma_start3A_318 = tpu.memref_slice %arg4[%dma_start3A_316, %dma_start3A_317] : memref<1888x16xf32, #tpu.memory_space<hbm>> -> memref<1888x16xf32, #tpu.memory_space<hbm>>
    tpu.enqueue_indirect_dma source(%dma_start3A_318 : memref<1888x16xf32, #tpu.memory_space<hbm>>) target(%dma_start3A_312 : memref<128x16xf32, #tpu.memory_space<vmem>>) offsets(%dma_start3A_315 : memref<128xi32, #tpu.memory_space<vmem>>) semaphore(%arg30 : memref<!tpu.dma_semaphore, #tpu.memory_space<semaphore_mem>>)
    %dma_start3A_319 = arith.constant 2 : i32
    %dma_start3A_320 = arith.constant 256 : i32
    %dma_start3A_321 = arith.constant 0 : i32
    %dma_start3A_322 = tpu.memref_slice %arg28[%dma_start3A_320, %dma_start3A_321] : memref<512x16xf32, #tpu.memory_space<vmem>> -> memref<128x16xf32, #tpu.memory_space<vmem>>
    %dma_start3A_323 = arith.constant 0 : i32
    %dma_start3A_324 = tpu.memref_slice %arg21[%dma_start3A_319, %dma_start3A_323] : memref<4x128xi32, #tpu.memory_space<vmem>> -> memref<1x128xi32, #tpu.memory_space<vmem>>
    %dma_start3A_325 = tpu.memref_squeeze %dma_start3A_324 : memref<1x128xi32, #tpu.memory_space<vmem>> -> memref<128xi32, #tpu.memory_space<vmem>>
    %dma_start3A_326 = arith.constant 0 : i32
    %dma_start3A_327 = arith.constant 0 : i32
    %dma_start3A_328 = tpu.memref_slice %arg4[%dma_start3A_326, %dma_start3A_327] : memref<1888x16xf32, #tpu.memory_space<hbm>> -> memref<1888x16xf32, #tpu.memory_space<hbm>>
    tpu.enqueue_indirect_dma source(%dma_start3A_328 : memref<1888x16xf32, #tpu.memory_space<hbm>>) target(%dma_start3A_322 : memref<128x16xf32, #tpu.memory_space<vmem>>) offsets(%dma_start3A_325 : memref<128xi32, #tpu.memory_space<vmem>>) semaphore(%arg30 : memref<!tpu.dma_semaphore, #tpu.memory_space<semaphore_mem>>)
    %dma_start3A_329 = arith.constant 3 : i32
    %dma_start3A_330 = arith.constant 384 : i32
    %dma_start3A_331 = arith.constant 0 : i32
    %dma_start3A_332 = tpu.memref_slice %arg28[%dma_start3A_330, %dma_start3A_331] : memref<512x16xf32, #tpu.memory_space<vmem>> -> memref<128x16xf32, #tpu.memory_space<vmem>>
    %dma_start3A_333 = arith.constant 0 : i32
    %dma_start3A_334 = tpu.memref_slice %arg21[%dma_start3A_329, %dma_start3A_333] : memref<4x128xi32, #tpu.memory_space<vmem>> -> memref<1x128xi32, #tpu.memory_space<vmem>>
    %dma_start3A_335 = tpu.memref_squeeze %dma_start3A_334 : memref<1x128xi32, #tpu.memory_space<vmem>> -> memref<128xi32, #tpu.memory_space<vmem>>
    %dma_start3A_336 = arith.constant 0 : i32
    %dma_start3A_337 = arith.constant 0 : i32
    %dma_start3A_338 = tpu.memref_slice %arg4[%dma_start3A_336, %dma_start3A_337] : memref<1888x16xf32, #tpu.memory_space<hbm>> -> memref<1888x16xf32, #tpu.memory_space<hbm>>
    tpu.enqueue_indirect_dma source(%dma_start3A_338 : memref<1888x16xf32, #tpu.memory_space<hbm>>) target(%dma_start3A_332 : memref<128x16xf32, #tpu.memory_space<vmem>>) offsets(%dma_start3A_335 : memref<128xi32, #tpu.memory_space<vmem>>) semaphore(%arg30 : memref<!tpu.dma_semaphore, #tpu.memory_space<semaphore_mem>>)
    %dma_wait3A_339 = arith.constant 0 : i32
    %dma_wait3A_340 = arith.constant 0 : i32
    %dma_wait3A_341 = arith.constant 0 : i32
    %dma_wait3A_342 = tpu.memref_slice %arg22[%dma_wait3A_340, %dma_wait3A_341] : memref<512x128xf32, #tpu.memory_space<vmem>> -> memref<128x128xf32, #tpu.memory_space<vmem>>
    %dma_wait3A_343 = arith.constant 0 : i32
    %dma_wait3A_344 = tpu.memref_slice %arg15[%dma_wait3A_339, %dma_wait3A_343] : memref<4x128xi32, #tpu.memory_space<vmem>> -> memref<1x128xi32, #tpu.memory_space<vmem>>
    %dma_wait3A_345 = tpu.memref_squeeze %dma_wait3A_344 : memref<1x128xi32, #tpu.memory_space<vmem>> -> memref<128xi32, #tpu.memory_space<vmem>>
    %dma_wait3A_346 = arith.constant 0 : i32
    %dma_wait3A_347 = arith.constant 0 : i32
    %dma_wait3A_348 = tpu.memref_slice %arg2[%dma_wait3A_346, %dma_wait3A_347] : memref<253952x128xf32, #tpu.memory_space<hbm>> -> memref<253952x128xf32, #tpu.memory_space<hbm>>
    tpu.wait_indirect_dma semaphore(%arg30 : memref<!tpu.dma_semaphore, #tpu.memory_space<semaphore_mem>>) src(%dma_wait3A_348 : memref<253952x128xf32, #tpu.memory_space<hbm>>) dst(%dma_wait3A_342 : memref<128x128xf32, #tpu.memory_space<vmem>>)
    %dma_wait3A_349 = arith.constant 1 : i32
    %dma_wait3A_350 = arith.constant 128 : i32
    %dma_wait3A_351 = arith.constant 0 : i32
    %dma_wait3A_352 = tpu.memref_slice %arg22[%dma_wait3A_350, %dma_wait3A_351] : memref<512x128xf32, #tpu.memory_space<vmem>> -> memref<128x128xf32, #tpu.memory_space<vmem>>
    %dma_wait3A_353 = arith.constant 0 : i32
    %dma_wait3A_354 = tpu.memref_slice %arg15[%dma_wait3A_349, %dma_wait3A_353] : memref<4x128xi32, #tpu.memory_space<vmem>> -> memref<1x128xi32, #tpu.memory_space<vmem>>
    %dma_wait3A_355 = tpu.memref_squeeze %dma_wait3A_354 : memref<1x128xi32, #tpu.memory_space<vmem>> -> memref<128xi32, #tpu.memory_space<vmem>>
    %dma_wait3A_356 = arith.constant 0 : i32
    %dma_wait3A_357 = arith.constant 0 : i32
    %dma_wait3A_358 = tpu.memref_slice %arg2[%dma_wait3A_356, %dma_wait3A_357] : memref<253952x128xf32, #tpu.memory_space<hbm>> -> memref<253952x128xf32, #tpu.memory_space<hbm>>
    tpu.wait_indirect_dma semaphore(%arg30 : memref<!tpu.dma_semaphore, #tpu.memory_space<semaphore_mem>>) src(%dma_wait3A_358 : memref<253952x128xf32, #tpu.memory_space<hbm>>) dst(%dma_wait3A_352 : memref<128x128xf32, #tpu.memory_space<vmem>>)
    %dma_wait3A_359 = arith.constant 2 : i32
    %dma_wait3A_360 = arith.constant 256 : i32
    %dma_wait3A_361 = arith.constant 0 : i32
    %dma_wait3A_362 = tpu.memref_slice %arg22[%dma_wait3A_360, %dma_wait3A_361] : memref<512x128xf32, #tpu.memory_space<vmem>> -> memref<128x128xf32, #tpu.memory_space<vmem>>
    %dma_wait3A_363 = arith.constant 0 : i32
    %dma_wait3A_364 = tpu.memref_slice %arg15[%dma_wait3A_359, %dma_wait3A_363] : memref<4x128xi32, #tpu.memory_space<vmem>> -> memref<1x128xi32, #tpu.memory_space<vmem>>
    %dma_wait3A_365 = tpu.memref_squeeze %dma_wait3A_364 : memref<1x128xi32, #tpu.memory_space<vmem>> -> memref<128xi32, #tpu.memory_space<vmem>>
    %dma_wait3A_366 = arith.constant 0 : i32
    %dma_wait3A_367 = arith.constant 0 : i32
    %dma_wait3A_368 = tpu.memref_slice %arg2[%dma_wait3A_366, %dma_wait3A_367] : memref<253952x128xf32, #tpu.memory_space<hbm>> -> memref<253952x128xf32, #tpu.memory_space<hbm>>
    tpu.wait_indirect_dma semaphore(%arg30 : memref<!tpu.dma_semaphore, #tpu.memory_space<semaphore_mem>>) src(%dma_wait3A_368 : memref<253952x128xf32, #tpu.memory_space<hbm>>) dst(%dma_wait3A_362 : memref<128x128xf32, #tpu.memory_space<vmem>>)
    %dma_wait3A_369 = arith.constant 3 : i32
    %dma_wait3A_370 = arith.constant 384 : i32
    %dma_wait3A_371 = arith.constant 0 : i32
    %dma_wait3A_372 = tpu.memref_slice %arg22[%dma_wait3A_370, %dma_wait3A_371] : memref<512x128xf32, #tpu.memory_space<vmem>> -> memref<128x128xf32, #tpu.memory_space<vmem>>
    %dma_wait3A_373 = arith.constant 0 : i32
    %dma_wait3A_374 = tpu.memref_slice %arg15[%dma_wait3A_369, %dma_wait3A_373] : memref<4x128xi32, #tpu.memory_space<vmem>> -> memref<1x128xi32, #tpu.memory_space<vmem>>
    %dma_wait3A_375 = tpu.memref_squeeze %dma_wait3A_374 : memref<1x128xi32, #tpu.memory_space<vmem>> -> memref<128xi32, #tpu.memory_space<vmem>>
    %dma_wait3A_376 = arith.constant 0 : i32
    %dma_wait3A_377 = arith.constant 0 : i32
    %dma_wait3A_378 = tpu.memref_slice %arg2[%dma_wait3A_376, %dma_wait3A_377] : memref<253952x128xf32, #tpu.memory_space<hbm>> -> memref<253952x128xf32, #tpu.memory_space<hbm>>
    tpu.wait_indirect_dma semaphore(%arg30 : memref<!tpu.dma_semaphore, #tpu.memory_space<semaphore_mem>>) src(%dma_wait3A_378 : memref<253952x128xf32, #tpu.memory_space<hbm>>) dst(%dma_wait3A_372 : memref<128x128xf32, #tpu.memory_space<vmem>>)
    %dma_wait3A_379 = arith.constant 0 : i32
    %dma_wait3A_380 = arith.constant 0 : i32
    %dma_wait3A_381 = arith.constant 0 : i32
    %dma_wait3A_382 = tpu.memref_slice %arg23[%dma_wait3A_380, %dma_wait3A_381] : memref<512x32xf32, #tpu.memory_space<vmem>> -> memref<128x32xf32, #tpu.memory_space<vmem>>
    %dma_wait3A_383 = arith.constant 0 : i32
    %dma_wait3A_384 = tpu.memref_slice %arg16[%dma_wait3A_379, %dma_wait3A_383] : memref<4x128xi32, #tpu.memory_space<vmem>> -> memref<1x128xi32, #tpu.memory_space<vmem>>
    %dma_wait3A_385 = tpu.memref_squeeze %dma_wait3A_384 : memref<1x128xi32, #tpu.memory_space<vmem>> -> memref<128xi32, #tpu.memory_space<vmem>>
    %dma_wait3A_386 = arith.constant 0 : i32
    %dma_wait3A_387 = arith.constant 0 : i32
    %dma_wait3A_388 = tpu.memref_slice %arg3[%dma_wait3A_386, %dma_wait3A_387] : memref<50356x32xf32, #tpu.memory_space<hbm>> -> memref<50356x32xf32, #tpu.memory_space<hbm>>
    tpu.wait_indirect_dma semaphore(%arg30 : memref<!tpu.dma_semaphore, #tpu.memory_space<semaphore_mem>>) src(%dma_wait3A_388 : memref<50356x32xf32, #tpu.memory_space<hbm>>) dst(%dma_wait3A_382 : memref<128x32xf32, #tpu.memory_space<vmem>>)
    %dma_wait3A_389 = arith.constant 1 : i32
    %dma_wait3A_390 = arith.constant 128 : i32
    %dma_wait3A_391 = arith.constant 0 : i32
    %dma_wait3A_392 = tpu.memref_slice %arg23[%dma_wait3A_390, %dma_wait3A_391] : memref<512x32xf32, #tpu.memory_space<vmem>> -> memref<128x32xf32, #tpu.memory_space<vmem>>
    %dma_wait3A_393 = arith.constant 0 : i32
    %dma_wait3A_394 = tpu.memref_slice %arg16[%dma_wait3A_389, %dma_wait3A_393] : memref<4x128xi32, #tpu.memory_space<vmem>> -> memref<1x128xi32, #tpu.memory_space<vmem>>
    %dma_wait3A_395 = tpu.memref_squeeze %dma_wait3A_394 : memref<1x128xi32, #tpu.memory_space<vmem>> -> memref<128xi32, #tpu.memory_space<vmem>>
    %dma_wait3A_396 = arith.constant 0 : i32
    %dma_wait3A_397 = arith.constant 0 : i32
    %dma_wait3A_398 = tpu.memref_slice %arg3[%dma_wait3A_396, %dma_wait3A_397] : memref<50356x32xf32, #tpu.memory_space<hbm>> -> memref<50356x32xf32, #tpu.memory_space<hbm>>
    tpu.wait_indirect_dma semaphore(%arg30 : memref<!tpu.dma_semaphore, #tpu.memory_space<semaphore_mem>>) src(%dma_wait3A_398 : memref<50356x32xf32, #tpu.memory_space<hbm>>) dst(%dma_wait3A_392 : memref<128x32xf32, #tpu.memory_space<vmem>>)
    %dma_wait3A_399 = arith.constant 2 : i32
    %dma_wait3A_400 = arith.constant 256 : i32
    %dma_wait3A_401 = arith.constant 0 : i32
    %dma_wait3A_402 = tpu.memref_slice %arg23[%dma_wait3A_400, %dma_wait3A_401] : memref<512x32xf32, #tpu.memory_space<vmem>> -> memref<128x32xf32, #tpu.memory_space<vmem>>
    %dma_wait3A_403 = arith.constant 0 : i32
    %dma_wait3A_404 = tpu.memref_slice %arg16[%dma_wait3A_399, %dma_wait3A_403] : memref<4x128xi32, #tpu.memory_space<vmem>> -> memref<1x128xi32, #tpu.memory_space<vmem>>
    %dma_wait3A_405 = tpu.memref_squeeze %dma_wait3A_404 : memref<1x128xi32, #tpu.memory_space<vmem>> -> memref<128xi32, #tpu.memory_space<vmem>>
    %dma_wait3A_406 = arith.constant 0 : i32
    %dma_wait3A_407 = arith.constant 0 : i32
    %dma_wait3A_408 = tpu.memref_slice %arg3[%dma_wait3A_406, %dma_wait3A_407] : memref<50356x32xf32, #tpu.memory_space<hbm>> -> memref<50356x32xf32, #tpu.memory_space<hbm>>
    tpu.wait_indirect_dma semaphore(%arg30 : memref<!tpu.dma_semaphore, #tpu.memory_space<semaphore_mem>>) src(%dma_wait3A_408 : memref<50356x32xf32, #tpu.memory_space<hbm>>) dst(%dma_wait3A_402 : memref<128x32xf32, #tpu.memory_space<vmem>>)
    %dma_wait3A_409 = arith.constant 3 : i32
    %dma_wait3A_410 = arith.constant 384 : i32
    %dma_wait3A_411 = arith.constant 0 : i32
    %dma_wait3A_412 = tpu.memref_slice %arg23[%dma_wait3A_410, %dma_wait3A_411] : memref<512x32xf32, #tpu.memory_space<vmem>> -> memref<128x32xf32, #tpu.memory_space<vmem>>
    %dma_wait3A_413 = arith.constant 0 : i32
    %dma_wait3A_414 = tpu.memref_slice %arg16[%dma_wait3A_409, %dma_wait3A_413] : memref<4x128xi32, #tpu.memory_space<vmem>> -> memref<1x128xi32, #tpu.memory_space<vmem>>
    %dma_wait3A_415 = tpu.memref_squeeze %dma_wait3A_414 : memref<1x128xi32, #tpu.memory_space<vmem>> -> memref<128xi32, #tpu.memory_space<vmem>>
    %dma_wait3A_416 = arith.constant 0 : i32
    %dma_wait3A_417 = arith.constant 0 : i32
    %dma_wait3A_418 = tpu.memref_slice %arg3[%dma_wait3A_416, %dma_wait3A_417] : memref<50356x32xf32, #tpu.memory_space<hbm>> -> memref<50356x32xf32, #tpu.memory_space<hbm>>
    tpu.wait_indirect_dma semaphore(%arg30 : memref<!tpu.dma_semaphore, #tpu.memory_space<semaphore_mem>>) src(%dma_wait3A_418 : memref<50356x32xf32, #tpu.memory_space<hbm>>) dst(%dma_wait3A_412 : memref<128x32xf32, #tpu.memory_space<vmem>>)
    %dma_wait3A_419 = arith.constant 0 : i32
    %dma_wait3A_420 = arith.constant 0 : i32
    %dma_wait3A_421 = arith.constant 0 : i32
    %dma_wait3A_422 = tpu.memref_slice %arg24[%dma_wait3A_420, %dma_wait3A_421] : memref<512x16xf32, #tpu.memory_space<vmem>> -> memref<128x16xf32, #tpu.memory_space<vmem>>
    %dma_wait3A_423 = arith.constant 0 : i32
    %dma_wait3A_424 = tpu.memref_slice %arg17[%dma_wait3A_419, %dma_wait3A_423] : memref<4x128xi32, #tpu.memory_space<vmem>> -> memref<1x128xi32, #tpu.memory_space<vmem>>
    %dma_wait3A_425 = tpu.memref_squeeze %dma_wait3A_424 : memref<1x128xi32, #tpu.memory_space<vmem>> -> memref<128xi32, #tpu.memory_space<vmem>>
    %dma_wait3A_426 = arith.constant 0 : i32
    %dma_wait3A_427 = arith.constant 0 : i32
    %dma_wait3A_428 = tpu.memref_slice %arg4[%dma_wait3A_426, %dma_wait3A_427] : memref<1888x16xf32, #tpu.memory_space<hbm>> -> memref<1888x16xf32, #tpu.memory_space<hbm>>
    tpu.wait_indirect_dma semaphore(%arg30 : memref<!tpu.dma_semaphore, #tpu.memory_space<semaphore_mem>>) src(%dma_wait3A_428 : memref<1888x16xf32, #tpu.memory_space<hbm>>) dst(%dma_wait3A_422 : memref<128x16xf32, #tpu.memory_space<vmem>>)
    %dma_wait3A_429 = arith.constant 1 : i32
    %dma_wait3A_430 = arith.constant 128 : i32
    %dma_wait3A_431 = arith.constant 0 : i32
    %dma_wait3A_432 = tpu.memref_slice %arg24[%dma_wait3A_430, %dma_wait3A_431] : memref<512x16xf32, #tpu.memory_space<vmem>> -> memref<128x16xf32, #tpu.memory_space<vmem>>
    %dma_wait3A_433 = arith.constant 0 : i32
    %dma_wait3A_434 = tpu.memref_slice %arg17[%dma_wait3A_429, %dma_wait3A_433] : memref<4x128xi32, #tpu.memory_space<vmem>> -> memref<1x128xi32, #tpu.memory_space<vmem>>
    %dma_wait3A_435 = tpu.memref_squeeze %dma_wait3A_434 : memref<1x128xi32, #tpu.memory_space<vmem>> -> memref<128xi32, #tpu.memory_space<vmem>>
    %dma_wait3A_436 = arith.constant 0 : i32
    %dma_wait3A_437 = arith.constant 0 : i32
    %dma_wait3A_438 = tpu.memref_slice %arg4[%dma_wait3A_436, %dma_wait3A_437] : memref<1888x16xf32, #tpu.memory_space<hbm>> -> memref<1888x16xf32, #tpu.memory_space<hbm>>
    tpu.wait_indirect_dma semaphore(%arg30 : memref<!tpu.dma_semaphore, #tpu.memory_space<semaphore_mem>>) src(%dma_wait3A_438 : memref<1888x16xf32, #tpu.memory_space<hbm>>) dst(%dma_wait3A_432 : memref<128x16xf32, #tpu.memory_space<vmem>>)
    %dma_wait3A_439 = arith.constant 2 : i32
    %dma_wait3A_440 = arith.constant 256 : i32
    %dma_wait3A_441 = arith.constant 0 : i32
    %dma_wait3A_442 = tpu.memref_slice %arg24[%dma_wait3A_440, %dma_wait3A_441] : memref<512x16xf32, #tpu.memory_space<vmem>> -> memref<128x16xf32, #tpu.memory_space<vmem>>
    %dma_wait3A_443 = arith.constant 0 : i32
    %dma_wait3A_444 = tpu.memref_slice %arg17[%dma_wait3A_439, %dma_wait3A_443] : memref<4x128xi32, #tpu.memory_space<vmem>> -> memref<1x128xi32, #tpu.memory_space<vmem>>
    %dma_wait3A_445 = tpu.memref_squeeze %dma_wait3A_444 : memref<1x128xi32, #tpu.memory_space<vmem>> -> memref<128xi32, #tpu.memory_space<vmem>>
    %dma_wait3A_446 = arith.constant 0 : i32
    %dma_wait3A_447 = arith.constant 0 : i32
    %dma_wait3A_448 = tpu.memref_slice %arg4[%dma_wait3A_446, %dma_wait3A_447] : memref<1888x16xf32, #tpu.memory_space<hbm>> -> memref<1888x16xf32, #tpu.memory_space<hbm>>
    tpu.wait_indirect_dma semaphore(%arg30 : memref<!tpu.dma_semaphore, #tpu.memory_space<semaphore_mem>>) src(%dma_wait3A_448 : memref<1888x16xf32, #tpu.memory_space<hbm>>) dst(%dma_wait3A_442 : memref<128x16xf32, #tpu.memory_space<vmem>>)
    %dma_wait3A_449 = arith.constant 3 : i32
    %dma_wait3A_450 = arith.constant 384 : i32
    %dma_wait3A_451 = arith.constant 0 : i32
    %dma_wait3A_452 = tpu.memref_slice %arg24[%dma_wait3A_450, %dma_wait3A_451] : memref<512x16xf32, #tpu.memory_space<vmem>> -> memref<128x16xf32, #tpu.memory_space<vmem>>
    %dma_wait3A_453 = arith.constant 0 : i32
    %dma_wait3A_454 = tpu.memref_slice %arg17[%dma_wait3A_449, %dma_wait3A_453] : memref<4x128xi32, #tpu.memory_space<vmem>> -> memref<1x128xi32, #tpu.memory_space<vmem>>
    %dma_wait3A_455 = tpu.memref_squeeze %dma_wait3A_454 : memref<1x128xi32, #tpu.memory_space<vmem>> -> memref<128xi32, #tpu.memory_space<vmem>>
    %dma_wait3A_456 = arith.constant 0 : i32
    %dma_wait3A_457 = arith.constant 0 : i32
    %dma_wait3A_458 = tpu.memref_slice %arg4[%dma_wait3A_456, %dma_wait3A_457] : memref<1888x16xf32, #tpu.memory_space<hbm>> -> memref<1888x16xf32, #tpu.memory_space<hbm>>
    tpu.wait_indirect_dma semaphore(%arg30 : memref<!tpu.dma_semaphore, #tpu.memory_space<semaphore_mem>>) src(%dma_wait3A_458 : memref<1888x16xf32, #tpu.memory_space<hbm>>) dst(%dma_wait3A_452 : memref<128x16xf32, #tpu.memory_space<vmem>>)
    %dma_wait3A_459 = arith.constant 0 : i32
    %dma_wait3A_460 = arith.constant 0 : i32
    %dma_wait3A_461 = arith.constant 0 : i32
    %dma_wait3A_462 = tpu.memref_slice %arg25[%dma_wait3A_460, %dma_wait3A_461] : memref<512x16xf32, #tpu.memory_space<vmem>> -> memref<128x16xf32, #tpu.memory_space<vmem>>
    %dma_wait3A_463 = arith.constant 0 : i32
    %dma_wait3A_464 = tpu.memref_slice %arg18[%dma_wait3A_459, %dma_wait3A_463] : memref<4x128xi32, #tpu.memory_space<vmem>> -> memref<1x128xi32, #tpu.memory_space<vmem>>
    %dma_wait3A_465 = tpu.memref_squeeze %dma_wait3A_464 : memref<1x128xi32, #tpu.memory_space<vmem>> -> memref<128xi32, #tpu.memory_space<vmem>>
    %dma_wait3A_466 = arith.constant 0 : i32
    %dma_wait3A_467 = arith.constant 0 : i32
    %dma_wait3A_468 = tpu.memref_slice %arg4[%dma_wait3A_466, %dma_wait3A_467] : memref<1888x16xf32, #tpu.memory_space<hbm>> -> memref<1888x16xf32, #tpu.memory_space<hbm>>
    tpu.wait_indirect_dma semaphore(%arg30 : memref<!tpu.dma_semaphore, #tpu.memory_space<semaphore_mem>>) src(%dma_wait3A_468 : memref<1888x16xf32, #tpu.memory_space<hbm>>) dst(%dma_wait3A_462 : memref<128x16xf32, #tpu.memory_space<vmem>>)
    %dma_wait3A_469 = arith.constant 1 : i32
    %dma_wait3A_470 = arith.constant 128 : i32
    %dma_wait3A_471 = arith.constant 0 : i32
    %dma_wait3A_472 = tpu.memref_slice %arg25[%dma_wait3A_470, %dma_wait3A_471] : memref<512x16xf32, #tpu.memory_space<vmem>> -> memref<128x16xf32, #tpu.memory_space<vmem>>
    %dma_wait3A_473 = arith.constant 0 : i32
    %dma_wait3A_474 = tpu.memref_slice %arg18[%dma_wait3A_469, %dma_wait3A_473] : memref<4x128xi32, #tpu.memory_space<vmem>> -> memref<1x128xi32, #tpu.memory_space<vmem>>
    %dma_wait3A_475 = tpu.memref_squeeze %dma_wait3A_474 : memref<1x128xi32, #tpu.memory_space<vmem>> -> memref<128xi32, #tpu.memory_space<vmem>>
    %dma_wait3A_476 = arith.constant 0 : i32
    %dma_wait3A_477 = arith.constant 0 : i32
    %dma_wait3A_478 = tpu.memref_slice %arg4[%dma_wait3A_476, %dma_wait3A_477] : memref<1888x16xf32, #tpu.memory_space<hbm>> -> memref<1888x16xf32, #tpu.memory_space<hbm>>
    tpu.wait_indirect_dma semaphore(%arg30 : memref<!tpu.dma_semaphore, #tpu.memory_space<semaphore_mem>>) src(%dma_wait3A_478 : memref<1888x16xf32, #tpu.memory_space<hbm>>) dst(%dma_wait3A_472 : memref<128x16xf32, #tpu.memory_space<vmem>>)
    %dma_wait3A_479 = arith.constant 2 : i32
    %dma_wait3A_480 = arith.constant 256 : i32
    %dma_wait3A_481 = arith.constant 0 : i32
    %dma_wait3A_482 = tpu.memref_slice %arg25[%dma_wait3A_480, %dma_wait3A_481] : memref<512x16xf32, #tpu.memory_space<vmem>> -> memref<128x16xf32, #tpu.memory_space<vmem>>
    %dma_wait3A_483 = arith.constant 0 : i32
    %dma_wait3A_484 = tpu.memref_slice %arg18[%dma_wait3A_479, %dma_wait3A_483] : memref<4x128xi32, #tpu.memory_space<vmem>> -> memref<1x128xi32, #tpu.memory_space<vmem>>
    %dma_wait3A_485 = tpu.memref_squeeze %dma_wait3A_484 : memref<1x128xi32, #tpu.memory_space<vmem>> -> memref<128xi32, #tpu.memory_space<vmem>>
    %dma_wait3A_486 = arith.constant 0 : i32
    %dma_wait3A_487 = arith.constant 0 : i32
    %dma_wait3A_488 = tpu.memref_slice %arg4[%dma_wait3A_486, %dma_wait3A_487] : memref<1888x16xf32, #tpu.memory_space<hbm>> -> memref<1888x16xf32, #tpu.memory_space<hbm>>
    tpu.wait_indirect_dma semaphore(%arg30 : memref<!tpu.dma_semaphore, #tpu.memory_space<semaphore_mem>>) src(%dma_wait3A_488 : memref<1888x16xf32, #tpu.memory_space<hbm>>) dst(%dma_wait3A_482 : memref<128x16xf32, #tpu.memory_space<vmem>>)
    %dma_wait3A_489 = arith.constant 3 : i32
    %dma_wait3A_490 = arith.constant 384 : i32
    %dma_wait3A_491 = arith.constant 0 : i32
    %dma_wait3A_492 = tpu.memref_slice %arg25[%dma_wait3A_490, %dma_wait3A_491] : memref<512x16xf32, #tpu.memory_space<vmem>> -> memref<128x16xf32, #tpu.memory_space<vmem>>
    %dma_wait3A_493 = arith.constant 0 : i32
    %dma_wait3A_494 = tpu.memref_slice %arg18[%dma_wait3A_489, %dma_wait3A_493] : memref<4x128xi32, #tpu.memory_space<vmem>> -> memref<1x128xi32, #tpu.memory_space<vmem>>
    %dma_wait3A_495 = tpu.memref_squeeze %dma_wait3A_494 : memref<1x128xi32, #tpu.memory_space<vmem>> -> memref<128xi32, #tpu.memory_space<vmem>>
    %dma_wait3A_496 = arith.constant 0 : i32
    %dma_wait3A_497 = arith.constant 0 : i32
    %dma_wait3A_498 = tpu.memref_slice %arg4[%dma_wait3A_496, %dma_wait3A_497] : memref<1888x16xf32, #tpu.memory_space<hbm>> -> memref<1888x16xf32, #tpu.memory_space<hbm>>
    tpu.wait_indirect_dma semaphore(%arg30 : memref<!tpu.dma_semaphore, #tpu.memory_space<semaphore_mem>>) src(%dma_wait3A_498 : memref<1888x16xf32, #tpu.memory_space<hbm>>) dst(%dma_wait3A_492 : memref<128x16xf32, #tpu.memory_space<vmem>>)
    %dma_wait3A_499 = arith.constant 0 : i32
    %dma_wait3A_500 = arith.constant 0 : i32
    %dma_wait3A_501 = arith.constant 0 : i32
    %dma_wait3A_502 = tpu.memref_slice %arg26[%dma_wait3A_500, %dma_wait3A_501] : memref<512x16xf32, #tpu.memory_space<vmem>> -> memref<128x16xf32, #tpu.memory_space<vmem>>
    %dma_wait3A_503 = arith.constant 0 : i32
    %dma_wait3A_504 = tpu.memref_slice %arg19[%dma_wait3A_499, %dma_wait3A_503] : memref<4x128xi32, #tpu.memory_space<vmem>> -> memref<1x128xi32, #tpu.memory_space<vmem>>
    %dma_wait3A_505 = tpu.memref_squeeze %dma_wait3A_504 : memref<1x128xi32, #tpu.memory_space<vmem>> -> memref<128xi32, #tpu.memory_space<vmem>>
    %dma_wait3A_506 = arith.constant 0 : i32
    %dma_wait3A_507 = arith.constant 0 : i32
    %dma_wait3A_508 = tpu.memref_slice %arg4[%dma_wait3A_506, %dma_wait3A_507] : memref<1888x16xf32, #tpu.memory_space<hbm>> -> memref<1888x16xf32, #tpu.memory_space<hbm>>
    tpu.wait_indirect_dma semaphore(%arg30 : memref<!tpu.dma_semaphore, #tpu.memory_space<semaphore_mem>>) src(%dma_wait3A_508 : memref<1888x16xf32, #tpu.memory_space<hbm>>) dst(%dma_wait3A_502 : memref<128x16xf32, #tpu.memory_space<vmem>>)
    %dma_wait3A_509 = arith.constant 1 : i32
    %dma_wait3A_510 = arith.constant 128 : i32
    %dma_wait3A_511 = arith.constant 0 : i32
    %dma_wait3A_512 = tpu.memref_slice %arg26[%dma_wait3A_510, %dma_wait3A_511] : memref<512x16xf32, #tpu.memory_space<vmem>> -> memref<128x16xf32, #tpu.memory_space<vmem>>
    %dma_wait3A_513 = arith.constant 0 : i32
    %dma_wait3A_514 = tpu.memref_slice %arg19[%dma_wait3A_509, %dma_wait3A_513] : memref<4x128xi32, #tpu.memory_space<vmem>> -> memref<1x128xi32, #tpu.memory_space<vmem>>
    %dma_wait3A_515 = tpu.memref_squeeze %dma_wait3A_514 : memref<1x128xi32, #tpu.memory_space<vmem>> -> memref<128xi32, #tpu.memory_space<vmem>>
    %dma_wait3A_516 = arith.constant 0 : i32
    %dma_wait3A_517 = arith.constant 0 : i32
    %dma_wait3A_518 = tpu.memref_slice %arg4[%dma_wait3A_516, %dma_wait3A_517] : memref<1888x16xf32, #tpu.memory_space<hbm>> -> memref<1888x16xf32, #tpu.memory_space<hbm>>
    tpu.wait_indirect_dma semaphore(%arg30 : memref<!tpu.dma_semaphore, #tpu.memory_space<semaphore_mem>>) src(%dma_wait3A_518 : memref<1888x16xf32, #tpu.memory_space<hbm>>) dst(%dma_wait3A_512 : memref<128x16xf32, #tpu.memory_space<vmem>>)
    %dma_wait3A_519 = arith.constant 2 : i32
    %dma_wait3A_520 = arith.constant 256 : i32
    %dma_wait3A_521 = arith.constant 0 : i32
    %dma_wait3A_522 = tpu.memref_slice %arg26[%dma_wait3A_520, %dma_wait3A_521] : memref<512x16xf32, #tpu.memory_space<vmem>> -> memref<128x16xf32, #tpu.memory_space<vmem>>
    %dma_wait3A_523 = arith.constant 0 : i32
    %dma_wait3A_524 = tpu.memref_slice %arg19[%dma_wait3A_519, %dma_wait3A_523] : memref<4x128xi32, #tpu.memory_space<vmem>> -> memref<1x128xi32, #tpu.memory_space<vmem>>
    %dma_wait3A_525 = tpu.memref_squeeze %dma_wait3A_524 : memref<1x128xi32, #tpu.memory_space<vmem>> -> memref<128xi32, #tpu.memory_space<vmem>>
    %dma_wait3A_526 = arith.constant 0 : i32
    %dma_wait3A_527 = arith.constant 0 : i32
    %dma_wait3A_528 = tpu.memref_slice %arg4[%dma_wait3A_526, %dma_wait3A_527] : memref<1888x16xf32, #tpu.memory_space<hbm>> -> memref<1888x16xf32, #tpu.memory_space<hbm>>
    tpu.wait_indirect_dma semaphore(%arg30 : memref<!tpu.dma_semaphore, #tpu.memory_space<semaphore_mem>>) src(%dma_wait3A_528 : memref<1888x16xf32, #tpu.memory_space<hbm>>) dst(%dma_wait3A_522 : memref<128x16xf32, #tpu.memory_space<vmem>>)
    %dma_wait3A_529 = arith.constant 3 : i32
    %dma_wait3A_530 = arith.constant 384 : i32
    %dma_wait3A_531 = arith.constant 0 : i32
    %dma_wait3A_532 = tpu.memref_slice %arg26[%dma_wait3A_530, %dma_wait3A_531] : memref<512x16xf32, #tpu.memory_space<vmem>> -> memref<128x16xf32, #tpu.memory_space<vmem>>
    %dma_wait3A_533 = arith.constant 0 : i32
    %dma_wait3A_534 = tpu.memref_slice %arg19[%dma_wait3A_529, %dma_wait3A_533] : memref<4x128xi32, #tpu.memory_space<vmem>> -> memref<1x128xi32, #tpu.memory_space<vmem>>
    %dma_wait3A_535 = tpu.memref_squeeze %dma_wait3A_534 : memref<1x128xi32, #tpu.memory_space<vmem>> -> memref<128xi32, #tpu.memory_space<vmem>>
    %dma_wait3A_536 = arith.constant 0 : i32
    %dma_wait3A_537 = arith.constant 0 : i32
    %dma_wait3A_538 = tpu.memref_slice %arg4[%dma_wait3A_536, %dma_wait3A_537] : memref<1888x16xf32, #tpu.memory_space<hbm>> -> memref<1888x16xf32, #tpu.memory_space<hbm>>
    tpu.wait_indirect_dma semaphore(%arg30 : memref<!tpu.dma_semaphore, #tpu.memory_space<semaphore_mem>>) src(%dma_wait3A_538 : memref<1888x16xf32, #tpu.memory_space<hbm>>) dst(%dma_wait3A_532 : memref<128x16xf32, #tpu.memory_space<vmem>>)
    %dma_wait3A_539 = arith.constant 0 : i32
    %dma_wait3A_540 = arith.constant 0 : i32
    %dma_wait3A_541 = arith.constant 0 : i32
    %dma_wait3A_542 = tpu.memref_slice %arg27[%dma_wait3A_540, %dma_wait3A_541] : memref<512x16xf32, #tpu.memory_space<vmem>> -> memref<128x16xf32, #tpu.memory_space<vmem>>
    %dma_wait3A_543 = arith.constant 0 : i32
    %dma_wait3A_544 = tpu.memref_slice %arg20[%dma_wait3A_539, %dma_wait3A_543] : memref<4x128xi32, #tpu.memory_space<vmem>> -> memref<1x128xi32, #tpu.memory_space<vmem>>
    %dma_wait3A_545 = tpu.memref_squeeze %dma_wait3A_544 : memref<1x128xi32, #tpu.memory_space<vmem>> -> memref<128xi32, #tpu.memory_space<vmem>>
    %dma_wait3A_546 = arith.constant 0 : i32
    %dma_wait3A_547 = arith.constant 0 : i32
    %dma_wait3A_548 = tpu.memref_slice %arg4[%dma_wait3A_546, %dma_wait3A_547] : memref<1888x16xf32, #tpu.memory_space<hbm>> -> memref<1888x16xf32, #tpu.memory_space<hbm>>
    tpu.wait_indirect_dma semaphore(%arg30 : memref<!tpu.dma_semaphore, #tpu.memory_space<semaphore_mem>>) src(%dma_wait3A_548 : memref<1888x16xf32, #tpu.memory_space<hbm>>) dst(%dma_wait3A_542 : memref<128x16xf32, #tpu.memory_space<vmem>>)
    %dma_wait3A_549 = arith.constant 1 : i32
    %dma_wait3A_550 = arith.constant 128 : i32
    %dma_wait3A_551 = arith.constant 0 : i32
    %dma_wait3A_552 = tpu.memref_slice %arg27[%dma_wait3A_550, %dma_wait3A_551] : memref<512x16xf32, #tpu.memory_space<vmem>> -> memref<128x16xf32, #tpu.memory_space<vmem>>
    %dma_wait3A_553 = arith.constant 0 : i32
    %dma_wait3A_554 = tpu.memref_slice %arg20[%dma_wait3A_549, %dma_wait3A_553] : memref<4x128xi32, #tpu.memory_space<vmem>> -> memref<1x128xi32, #tpu.memory_space<vmem>>
    %dma_wait3A_555 = tpu.memref_squeeze %dma_wait3A_554 : memref<1x128xi32, #tpu.memory_space<vmem>> -> memref<128xi32, #tpu.memory_space<vmem>>
    %dma_wait3A_556 = arith.constant 0 : i32
    %dma_wait3A_557 = arith.constant 0 : i32
    %dma_wait3A_558 = tpu.memref_slice %arg4[%dma_wait3A_556, %dma_wait3A_557] : memref<1888x16xf32, #tpu.memory_space<hbm>> -> memref<1888x16xf32, #tpu.memory_space<hbm>>
    tpu.wait_indirect_dma semaphore(%arg30 : memref<!tpu.dma_semaphore, #tpu.memory_space<semaphore_mem>>) src(%dma_wait3A_558 : memref<1888x16xf32, #tpu.memory_space<hbm>>) dst(%dma_wait3A_552 : memref<128x16xf32, #tpu.memory_space<vmem>>)
    %dma_wait3A_559 = arith.constant 2 : i32
    %dma_wait3A_560 = arith.constant 256 : i32
    %dma_wait3A_561 = arith.constant 0 : i32
    %dma_wait3A_562 = tpu.memref_slice %arg27[%dma_wait3A_560, %dma_wait3A_561] : memref<512x16xf32, #tpu.memory_space<vmem>> -> memref<128x16xf32, #tpu.memory_space<vmem>>
    %dma_wait3A_563 = arith.constant 0 : i32
    %dma_wait3A_564 = tpu.memref_slice %arg20[%dma_wait3A_559, %dma_wait3A_563] : memref<4x128xi32, #tpu.memory_space<vmem>> -> memref<1x128xi32, #tpu.memory_space<vmem>>
    %dma_wait3A_565 = tpu.memref_squeeze %dma_wait3A_564 : memref<1x128xi32, #tpu.memory_space<vmem>> -> memref<128xi32, #tpu.memory_space<vmem>>
    %dma_wait3A_566 = arith.constant 0 : i32
    %dma_wait3A_567 = arith.constant 0 : i32
    %dma_wait3A_568 = tpu.memref_slice %arg4[%dma_wait3A_566, %dma_wait3A_567] : memref<1888x16xf32, #tpu.memory_space<hbm>> -> memref<1888x16xf32, #tpu.memory_space<hbm>>
    tpu.wait_indirect_dma semaphore(%arg30 : memref<!tpu.dma_semaphore, #tpu.memory_space<semaphore_mem>>) src(%dma_wait3A_568 : memref<1888x16xf32, #tpu.memory_space<hbm>>) dst(%dma_wait3A_562 : memref<128x16xf32, #tpu.memory_space<vmem>>)
    %dma_wait3A_569 = arith.constant 3 : i32
    %dma_wait3A_570 = arith.constant 384 : i32
    %dma_wait3A_571 = arith.constant 0 : i32
    %dma_wait3A_572 = tpu.memref_slice %arg27[%dma_wait3A_570, %dma_wait3A_571] : memref<512x16xf32, #tpu.memory_space<vmem>> -> memref<128x16xf32, #tpu.memory_space<vmem>>
    %dma_wait3A_573 = arith.constant 0 : i32
    %dma_wait3A_574 = tpu.memref_slice %arg20[%dma_wait3A_569, %dma_wait3A_573] : memref<4x128xi32, #tpu.memory_space<vmem>> -> memref<1x128xi32, #tpu.memory_space<vmem>>
    %dma_wait3A_575 = tpu.memref_squeeze %dma_wait3A_574 : memref<1x128xi32, #tpu.memory_space<vmem>> -> memref<128xi32, #tpu.memory_space<vmem>>
    %dma_wait3A_576 = arith.constant 0 : i32
    %dma_wait3A_577 = arith.constant 0 : i32
    %dma_wait3A_578 = tpu.memref_slice %arg4[%dma_wait3A_576, %dma_wait3A_577] : memref<1888x16xf32, #tpu.memory_space<hbm>> -> memref<1888x16xf32, #tpu.memory_space<hbm>>
    tpu.wait_indirect_dma semaphore(%arg30 : memref<!tpu.dma_semaphore, #tpu.memory_space<semaphore_mem>>) src(%dma_wait3A_578 : memref<1888x16xf32, #tpu.memory_space<hbm>>) dst(%dma_wait3A_572 : memref<128x16xf32, #tpu.memory_space<vmem>>)
    %dma_wait3A_579 = arith.constant 0 : i32
    %dma_wait3A_580 = arith.constant 0 : i32
    %dma_wait3A_581 = arith.constant 0 : i32
    %dma_wait3A_582 = tpu.memref_slice %arg28[%dma_wait3A_580, %dma_wait3A_581] : memref<512x16xf32, #tpu.memory_space<vmem>> -> memref<128x16xf32, #tpu.memory_space<vmem>>
    %dma_wait3A_583 = arith.constant 0 : i32
    %dma_wait3A_584 = tpu.memref_slice %arg21[%dma_wait3A_579, %dma_wait3A_583] : memref<4x128xi32, #tpu.memory_space<vmem>> -> memref<1x128xi32, #tpu.memory_space<vmem>>
    %dma_wait3A_585 = tpu.memref_squeeze %dma_wait3A_584 : memref<1x128xi32, #tpu.memory_space<vmem>> -> memref<128xi32, #tpu.memory_space<vmem>>
    %dma_wait3A_586 = arith.constant 0 : i32
    %dma_wait3A_587 = arith.constant 0 : i32
    %dma_wait3A_588 = tpu.memref_slice %arg4[%dma_wait3A_586, %dma_wait3A_587] : memref<1888x16xf32, #tpu.memory_space<hbm>> -> memref<1888x16xf32, #tpu.memory_space<hbm>>
    tpu.wait_indirect_dma semaphore(%arg30 : memref<!tpu.dma_semaphore, #tpu.memory_space<semaphore_mem>>) src(%dma_wait3A_588 : memref<1888x16xf32, #tpu.memory_space<hbm>>) dst(%dma_wait3A_582 : memref<128x16xf32, #tpu.memory_space<vmem>>)
    %dma_wait3A_589 = arith.constant 1 : i32
    %dma_wait3A_590 = arith.constant 128 : i32
    %dma_wait3A_591 = arith.constant 0 : i32
    %dma_wait3A_592 = tpu.memref_slice %arg28[%dma_wait3A_590, %dma_wait3A_591] : memref<512x16xf32, #tpu.memory_space<vmem>> -> memref<128x16xf32, #tpu.memory_space<vmem>>
    %dma_wait3A_593 = arith.constant 0 : i32
    %dma_wait3A_594 = tpu.memref_slice %arg21[%dma_wait3A_589, %dma_wait3A_593] : memref<4x128xi32, #tpu.memory_space<vmem>> -> memref<1x128xi32, #tpu.memory_space<vmem>>
    %dma_wait3A_595 = tpu.memref_squeeze %dma_wait3A_594 : memref<1x128xi32, #tpu.memory_space<vmem>> -> memref<128xi32, #tpu.memory_space<vmem>>
    %dma_wait3A_596 = arith.constant 0 : i32
    %dma_wait3A_597 = arith.constant 0 : i32
    %dma_wait3A_598 = tpu.memref_slice %arg4[%dma_wait3A_596, %dma_wait3A_597] : memref<1888x16xf32, #tpu.memory_space<hbm>> -> memref<1888x16xf32, #tpu.memory_space<hbm>>
    tpu.wait_indirect_dma semaphore(%arg30 : memref<!tpu.dma_semaphore, #tpu.memory_space<semaphore_mem>>) src(%dma_wait3A_598 : memref<1888x16xf32, #tpu.memory_space<hbm>>) dst(%dma_wait3A_592 : memref<128x16xf32, #tpu.memory_space<vmem>>)
    %dma_wait3A_599 = arith.constant 2 : i32
    %dma_wait3A_600 = arith.constant 256 : i32
    %dma_wait3A_601 = arith.constant 0 : i32
    %dma_wait3A_602 = tpu.memref_slice %arg28[%dma_wait3A_600, %dma_wait3A_601] : memref<512x16xf32, #tpu.memory_space<vmem>> -> memref<128x16xf32, #tpu.memory_space<vmem>>
    %dma_wait3A_603 = arith.constant 0 : i32
    %dma_wait3A_604 = tpu.memref_slice %arg21[%dma_wait3A_599, %dma_wait3A_603] : memref<4x128xi32, #tpu.memory_space<vmem>> -> memref<1x128xi32, #tpu.memory_space<vmem>>
    %dma_wait3A_605 = tpu.memref_squeeze %dma_wait3A_604 : memref<1x128xi32, #tpu.memory_space<vmem>> -> memref<128xi32, #tpu.memory_space<vmem>>
    %dma_wait3A_606 = arith.constant 0 : i32
    %dma_wait3A_607 = arith.constant 0 : i32
    %dma_wait3A_608 = tpu.memref_slice %arg4[%dma_wait3A_606, %dma_wait3A_607] : memref<1888x16xf32, #tpu.memory_space<hbm>> -> memref<1888x16xf32, #tpu.memory_space<hbm>>
    tpu.wait_indirect_dma semaphore(%arg30 : memref<!tpu.dma_semaphore, #tpu.memory_space<semaphore_mem>>) src(%dma_wait3A_608 : memref<1888x16xf32, #tpu.memory_space<hbm>>) dst(%dma_wait3A_602 : memref<128x16xf32, #tpu.memory_space<vmem>>)
    %dma_wait3A_609 = arith.constant 3 : i32
    %dma_wait3A_610 = arith.constant 384 : i32
    %dma_wait3A_611 = arith.constant 0 : i32
    %dma_wait3A_612 = tpu.memref_slice %arg28[%dma_wait3A_610, %dma_wait3A_611] : memref<512x16xf32, #tpu.memory_space<vmem>> -> memref<128x16xf32, #tpu.memory_space<vmem>>
    %dma_wait3A_613 = arith.constant 0 : i32
    %dma_wait3A_614 = tpu.memref_slice %arg21[%dma_wait3A_609, %dma_wait3A_613] : memref<4x128xi32, #tpu.memory_space<vmem>> -> memref<1x128xi32, #tpu.memory_space<vmem>>
    %dma_wait3A_615 = tpu.memref_squeeze %dma_wait3A_614 : memref<1x128xi32, #tpu.memory_space<vmem>> -> memref<128xi32, #tpu.memory_space<vmem>>
    %dma_wait3A_616 = arith.constant 0 : i32
    %dma_wait3A_617 = arith.constant 0 : i32
    %dma_wait3A_618 = tpu.memref_slice %arg4[%dma_wait3A_616, %dma_wait3A_617] : memref<1888x16xf32, #tpu.memory_space<hbm>> -> memref<1888x16xf32, #tpu.memory_space<hbm>>
    tpu.wait_indirect_dma semaphore(%arg30 : memref<!tpu.dma_semaphore, #tpu.memory_space<semaphore_mem>>) src(%dma_wait3A_618 : memref<1888x16xf32, #tpu.memory_space<hbm>>) dst(%dma_wait3A_612 : memref<128x16xf32, #tpu.memory_space<vmem>>)
    %dma_start3A_619 = arith.constant 0 : i32
    %dma_start3A_620 = tpu.memref_slice %arg12[%mul3A_2, %dma_start3A_619] : memref<16384x128xf32, #tpu.memory_space<hbm>> -> memref<512x128xf32, #tpu.memory_space<hbm>>
    %dma_start3A_621 = arith.constant 0 : i32
    %dma_start3A_622 = tpu.memref_slice %arg12[%mul3A_2, %dma_start3A_621] : memref<16384x128xf32, #tpu.memory_space<hbm>> -> memref<512x128xf32, #tpu.memory_space<hbm>>
    tpu.enqueue_dma source(%arg22 : memref<512x128xf32, #tpu.memory_space<vmem>>) target(%dma_start3A_622 : memref<512x128xf32, #tpu.memory_space<hbm>>) target_semaphore(%arg31 : memref<!tpu.dma_semaphore, #tpu.memory_space<semaphore_mem>>)
    %dma_start3A_623 = arith.constant 0 : i32
    %dma_start3A_624 = tpu.memref_slice %arg13[%mul3A_2, %dma_start3A_623] : memref<16384x32xf32, #tpu.memory_space<hbm>> -> memref<512x32xf32, #tpu.memory_space<hbm>>
    %dma_start3A_625 = arith.constant 0 : i32
    %dma_start3A_626 = tpu.memref_slice %arg13[%mul3A_2, %dma_start3A_625] : memref<16384x32xf32, #tpu.memory_space<hbm>> -> memref<512x32xf32, #tpu.memory_space<hbm>>
    tpu.enqueue_dma source(%arg23 : memref<512x32xf32, #tpu.memory_space<vmem>>) target(%dma_start3A_626 : memref<512x32xf32, #tpu.memory_space<hbm>>) target_semaphore(%arg31 : memref<!tpu.dma_semaphore, #tpu.memory_space<semaphore_mem>>)
    %dma_start3A_627 = arith.constant 0 : i32
    %dma_start3A_628 = arith.constant 0 : i32
    %dma_start3A_629 = tpu.memref_slice %arg14[%dma_start3A_627, %mul3A_2, %dma_start3A_628] : memref<5x16384x16xf32, #tpu.memory_space<hbm>> -> memref<1x512x16xf32, #tpu.memory_space<hbm>>
    %dma_start3A_630 = tpu.memref_squeeze %dma_start3A_629 : memref<1x512x16xf32, #tpu.memory_space<hbm>> -> memref<512x16xf32, #tpu.memory_space<hbm>>
    %dma_start3A_631 = arith.constant 0 : i32
    %dma_start3A_632 = tpu.memref_slice %arg14[%dma_start3A_627, %mul3A_2, %dma_start3A_631] : memref<5x16384x16xf32, #tpu.memory_space<hbm>> -> memref<1x512x16xf32, #tpu.memory_space<hbm>>
    %dma_start3A_633 = tpu.memref_squeeze %dma_start3A_632 : memref<1x512x16xf32, #tpu.memory_space<hbm>> -> memref<512x16xf32, #tpu.memory_space<hbm>>
    tpu.enqueue_dma source(%arg24 : memref<512x16xf32, #tpu.memory_space<vmem>>) target(%dma_start3A_633 : memref<512x16xf32, #tpu.memory_space<hbm>>) target_semaphore(%arg31 : memref<!tpu.dma_semaphore, #tpu.memory_space<semaphore_mem>>)
    %dma_start3A_634 = arith.constant 1 : i32
    %dma_start3A_635 = arith.constant 0 : i32
    %dma_start3A_636 = tpu.memref_slice %arg14[%dma_start3A_634, %mul3A_2, %dma_start3A_635] : memref<5x16384x16xf32, #tpu.memory_space<hbm>> -> memref<1x512x16xf32, #tpu.memory_space<hbm>>
    %dma_start3A_637 = tpu.memref_squeeze %dma_start3A_636 : memref<1x512x16xf32, #tpu.memory_space<hbm>> -> memref<512x16xf32, #tpu.memory_space<hbm>>
    %dma_start3A_638 = arith.constant 0 : i32
    %dma_start3A_639 = tpu.memref_slice %arg14[%dma_start3A_634, %mul3A_2, %dma_start3A_638] : memref<5x16384x16xf32, #tpu.memory_space<hbm>> -> memref<1x512x16xf32, #tpu.memory_space<hbm>>
    %dma_start3A_640 = tpu.memref_squeeze %dma_start3A_639 : memref<1x512x16xf32, #tpu.memory_space<hbm>> -> memref<512x16xf32, #tpu.memory_space<hbm>>
    tpu.enqueue_dma source(%arg25 : memref<512x16xf32, #tpu.memory_space<vmem>>) target(%dma_start3A_640 : memref<512x16xf32, #tpu.memory_space<hbm>>) target_semaphore(%arg31 : memref<!tpu.dma_semaphore, #tpu.memory_space<semaphore_mem>>)
    %dma_start3A_641 = arith.constant 2 : i32
    %dma_start3A_642 = arith.constant 0 : i32
    %dma_start3A_643 = tpu.memref_slice %arg14[%dma_start3A_641, %mul3A_2, %dma_start3A_642] : memref<5x16384x16xf32, #tpu.memory_space<hbm>> -> memref<1x512x16xf32, #tpu.memory_space<hbm>>
    %dma_start3A_644 = tpu.memref_squeeze %dma_start3A_643 : memref<1x512x16xf32, #tpu.memory_space<hbm>> -> memref<512x16xf32, #tpu.memory_space<hbm>>
    %dma_start3A_645 = arith.constant 0 : i32
    %dma_start3A_646 = tpu.memref_slice %arg14[%dma_start3A_641, %mul3A_2, %dma_start3A_645] : memref<5x16384x16xf32, #tpu.memory_space<hbm>> -> memref<1x512x16xf32, #tpu.memory_space<hbm>>
    %dma_start3A_647 = tpu.memref_squeeze %dma_start3A_646 : memref<1x512x16xf32, #tpu.memory_space<hbm>> -> memref<512x16xf32, #tpu.memory_space<hbm>>
    tpu.enqueue_dma source(%arg26 : memref<512x16xf32, #tpu.memory_space<vmem>>) target(%dma_start3A_647 : memref<512x16xf32, #tpu.memory_space<hbm>>) target_semaphore(%arg31 : memref<!tpu.dma_semaphore, #tpu.memory_space<semaphore_mem>>)
    %dma_start3A_648 = arith.constant 3 : i32
    %dma_start3A_649 = arith.constant 0 : i32
    %dma_start3A_650 = tpu.memref_slice %arg14[%dma_start3A_648, %mul3A_2, %dma_start3A_649] : memref<5x16384x16xf32, #tpu.memory_space<hbm>> -> memref<1x512x16xf32, #tpu.memory_space<hbm>>
    %dma_start3A_651 = tpu.memref_squeeze %dma_start3A_650 : memref<1x512x16xf32, #tpu.memory_space<hbm>> -> memref<512x16xf32, #tpu.memory_space<hbm>>
    %dma_start3A_652 = arith.constant 0 : i32
    %dma_start3A_653 = tpu.memref_slice %arg14[%dma_start3A_648, %mul3A_2, %dma_start3A_652] : memref<5x16384x16xf32, #tpu.memory_space<hbm>> -> memref<1x512x16xf32, #tpu.memory_space<hbm>>
    %dma_start3A_654 = tpu.memref_squeeze %dma_start3A_653 : memref<1x512x16xf32, #tpu.memory_space<hbm>> -> memref<512x16xf32, #tpu.memory_space<hbm>>
    tpu.enqueue_dma source(%arg27 : memref<512x16xf32, #tpu.memory_space<vmem>>) target(%dma_start3A_654 : memref<512x16xf32, #tpu.memory_space<hbm>>) target_semaphore(%arg31 : memref<!tpu.dma_semaphore, #tpu.memory_space<semaphore_mem>>)
    %dma_start3A_655 = arith.constant 4 : i32
    %dma_start3A_656 = arith.constant 0 : i32
    %dma_start3A_657 = tpu.memref_slice %arg14[%dma_start3A_655, %mul3A_2, %dma_start3A_656] : memref<5x16384x16xf32, #tpu.memory_space<hbm>> -> memref<1x512x16xf32, #tpu.memory_space<hbm>>
    %dma_start3A_658 = tpu.memref_squeeze %dma_start3A_657 : memref<1x512x16xf32, #tpu.memory_space<hbm>> -> memref<512x16xf32, #tpu.memory_space<hbm>>
    %dma_start3A_659 = arith.constant 0 : i32
    %dma_start3A_660 = tpu.memref_slice %arg14[%dma_start3A_655, %mul3A_2, %dma_start3A_659] : memref<5x16384x16xf32, #tpu.memory_space<hbm>> -> memref<1x512x16xf32, #tpu.memory_space<hbm>>
    %dma_start3A_661 = tpu.memref_squeeze %dma_start3A_660 : memref<1x512x16xf32, #tpu.memory_space<hbm>> -> memref<512x16xf32, #tpu.memory_space<hbm>>
    tpu.enqueue_dma source(%arg28 : memref<512x16xf32, #tpu.memory_space<vmem>>) target(%dma_start3A_661 : memref<512x16xf32, #tpu.memory_space<hbm>>) target_semaphore(%arg31 : memref<!tpu.dma_semaphore, #tpu.memory_space<semaphore_mem>>)
    %dma_wait3A_662 = arith.constant 0 : i32
    %dma_wait3A_663 = tpu.memref_slice %arg12[%mul3A_2, %dma_wait3A_662] : memref<16384x128xf32, #tpu.memory_space<hbm>> -> memref<512x128xf32, #tpu.memory_space<hbm>>
    %dma_wait3A_664 = arith.constant 0 : i32
    %dma_wait3A_665 = tpu.memref_slice %arg12[%mul3A_2, %dma_wait3A_664] : memref<16384x128xf32, #tpu.memory_space<hbm>> -> memref<512x128xf32, #tpu.memory_space<hbm>>
    tpu.wait_dma2 semaphore(%arg31 : memref<!tpu.dma_semaphore, #tpu.memory_space<semaphore_mem>>) src(%arg22 : memref<512x128xf32, #tpu.memory_space<vmem>>) dst(%dma_wait3A_665 : memref<512x128xf32, #tpu.memory_space<hbm>>)
    %dma_wait3A_666 = arith.constant 0 : i32
    %dma_wait3A_667 = tpu.memref_slice %arg13[%mul3A_2, %dma_wait3A_666] : memref<16384x32xf32, #tpu.memory_space<hbm>> -> memref<512x32xf32, #tpu.memory_space<hbm>>
    %dma_wait3A_668 = arith.constant 0 : i32
    %dma_wait3A_669 = tpu.memref_slice %arg13[%mul3A_2, %dma_wait3A_668] : memref<16384x32xf32, #tpu.memory_space<hbm>> -> memref<512x32xf32, #tpu.memory_space<hbm>>
    tpu.wait_dma2 semaphore(%arg31 : memref<!tpu.dma_semaphore, #tpu.memory_space<semaphore_mem>>) src(%arg23 : memref<512x32xf32, #tpu.memory_space<vmem>>) dst(%dma_wait3A_669 : memref<512x32xf32, #tpu.memory_space<hbm>>)
    %dma_wait3A_670 = arith.constant 0 : i32
    %dma_wait3A_671 = arith.constant 0 : i32
    %dma_wait3A_672 = tpu.memref_slice %arg14[%dma_wait3A_670, %mul3A_2, %dma_wait3A_671] : memref<5x16384x16xf32, #tpu.memory_space<hbm>> -> memref<1x512x16xf32, #tpu.memory_space<hbm>>
    %dma_wait3A_673 = tpu.memref_squeeze %dma_wait3A_672 : memref<1x512x16xf32, #tpu.memory_space<hbm>> -> memref<512x16xf32, #tpu.memory_space<hbm>>
    %dma_wait3A_674 = arith.constant 0 : i32
    %dma_wait3A_675 = tpu.memref_slice %arg14[%dma_wait3A_670, %mul3A_2, %dma_wait3A_674] : memref<5x16384x16xf32, #tpu.memory_space<hbm>> -> memref<1x512x16xf32, #tpu.memory_space<hbm>>
    %dma_wait3A_676 = tpu.memref_squeeze %dma_wait3A_675 : memref<1x512x16xf32, #tpu.memory_space<hbm>> -> memref<512x16xf32, #tpu.memory_space<hbm>>
    tpu.wait_dma2 semaphore(%arg31 : memref<!tpu.dma_semaphore, #tpu.memory_space<semaphore_mem>>) src(%arg24 : memref<512x16xf32, #tpu.memory_space<vmem>>) dst(%dma_wait3A_676 : memref<512x16xf32, #tpu.memory_space<hbm>>)
    %dma_wait3A_677 = arith.constant 1 : i32
    %dma_wait3A_678 = arith.constant 0 : i32
    %dma_wait3A_679 = tpu.memref_slice %arg14[%dma_wait3A_677, %mul3A_2, %dma_wait3A_678] : memref<5x16384x16xf32, #tpu.memory_space<hbm>> -> memref<1x512x16xf32, #tpu.memory_space<hbm>>
    %dma_wait3A_680 = tpu.memref_squeeze %dma_wait3A_679 : memref<1x512x16xf32, #tpu.memory_space<hbm>> -> memref<512x16xf32, #tpu.memory_space<hbm>>
    %dma_wait3A_681 = arith.constant 0 : i32
    %dma_wait3A_682 = tpu.memref_slice %arg14[%dma_wait3A_677, %mul3A_2, %dma_wait3A_681] : memref<5x16384x16xf32, #tpu.memory_space<hbm>> -> memref<1x512x16xf32, #tpu.memory_space<hbm>>
    %dma_wait3A_683 = tpu.memref_squeeze %dma_wait3A_682 : memref<1x512x16xf32, #tpu.memory_space<hbm>> -> memref<512x16xf32, #tpu.memory_space<hbm>>
    tpu.wait_dma2 semaphore(%arg31 : memref<!tpu.dma_semaphore, #tpu.memory_space<semaphore_mem>>) src(%arg25 : memref<512x16xf32, #tpu.memory_space<vmem>>) dst(%dma_wait3A_683 : memref<512x16xf32, #tpu.memory_space<hbm>>)
    %dma_wait3A_684 = arith.constant 2 : i32
    %dma_wait3A_685 = arith.constant 0 : i32
    %dma_wait3A_686 = tpu.memref_slice %arg14[%dma_wait3A_684, %mul3A_2, %dma_wait3A_685] : memref<5x16384x16xf32, #tpu.memory_space<hbm>> -> memref<1x512x16xf32, #tpu.memory_space<hbm>>
    %dma_wait3A_687 = tpu.memref_squeeze %dma_wait3A_686 : memref<1x512x16xf32, #tpu.memory_space<hbm>> -> memref<512x16xf32, #tpu.memory_space<hbm>>
    %dma_wait3A_688 = arith.constant 0 : i32
    %dma_wait3A_689 = tpu.memref_slice %arg14[%dma_wait3A_684, %mul3A_2, %dma_wait3A_688] : memref<5x16384x16xf32, #tpu.memory_space<hbm>> -> memref<1x512x16xf32, #tpu.memory_space<hbm>>
    %dma_wait3A_690 = tpu.memref_squeeze %dma_wait3A_689 : memref<1x512x16xf32, #tpu.memory_space<hbm>> -> memref<512x16xf32, #tpu.memory_space<hbm>>
    tpu.wait_dma2 semaphore(%arg31 : memref<!tpu.dma_semaphore, #tpu.memory_space<semaphore_mem>>) src(%arg26 : memref<512x16xf32, #tpu.memory_space<vmem>>) dst(%dma_wait3A_690 : memref<512x16xf32, #tpu.memory_space<hbm>>)
    %dma_wait3A_691 = arith.constant 3 : i32
    %dma_wait3A_692 = arith.constant 0 : i32
    %dma_wait3A_693 = tpu.memref_slice %arg14[%dma_wait3A_691, %mul3A_2, %dma_wait3A_692] : memref<5x16384x16xf32, #tpu.memory_space<hbm>> -> memref<1x512x16xf32, #tpu.memory_space<hbm>>
    %dma_wait3A_694 = tpu.memref_squeeze %dma_wait3A_693 : memref<1x512x16xf32, #tpu.memory_space<hbm>> -> memref<512x16xf32, #tpu.memory_space<hbm>>
    %dma_wait3A_695 = arith.constant 0 : i32
    %dma_wait3A_696 = tpu.memref_slice %arg14[%dma_wait3A_691, %mul3A_2, %dma_wait3A_695] : memref<5x16384x16xf32, #tpu.memory_space<hbm>> -> memref<1x512x16xf32, #tpu.memory_space<hbm>>
    %dma_wait3A_697 = tpu.memref_squeeze %dma_wait3A_696 : memref<1x512x16xf32, #tpu.memory_space<hbm>> -> memref<512x16xf32, #tpu.memory_space<hbm>>
    tpu.wait_dma2 semaphore(%arg31 : memref<!tpu.dma_semaphore, #tpu.memory_space<semaphore_mem>>) src(%arg27 : memref<512x16xf32, #tpu.memory_space<vmem>>) dst(%dma_wait3A_697 : memref<512x16xf32, #tpu.memory_space<hbm>>)
    %dma_wait3A_698 = arith.constant 4 : i32
    %dma_wait3A_699 = arith.constant 0 : i32
    %dma_wait3A_700 = tpu.memref_slice %arg14[%dma_wait3A_698, %mul3A_2, %dma_wait3A_699] : memref<5x16384x16xf32, #tpu.memory_space<hbm>> -> memref<1x512x16xf32, #tpu.memory_space<hbm>>
    %dma_wait3A_701 = tpu.memref_squeeze %dma_wait3A_700 : memref<1x512x16xf32, #tpu.memory_space<hbm>> -> memref<512x16xf32, #tpu.memory_space<hbm>>
    %dma_wait3A_702 = arith.constant 0 : i32
    %dma_wait3A_703 = tpu.memref_slice %arg14[%dma_wait3A_698, %mul3A_2, %dma_wait3A_702] : memref<5x16384x16xf32, #tpu.memory_space<hbm>> -> memref<1x512x16xf32, #tpu.memory_space<hbm>>
    %dma_wait3A_704 = tpu.memref_squeeze %dma_wait3A_703 : memref<1x512x16xf32, #tpu.memory_space<hbm>> -> memref<512x16xf32, #tpu.memory_space<hbm>>
    tpu.wait_dma2 semaphore(%arg31 : memref<!tpu.dma_semaphore, #tpu.memory_space<semaphore_mem>>) src(%arg28 : memref<512x16xf32, #tpu.memory_space<vmem>>) dst(%dma_wait3A_704 : memref<512x16xf32, #tpu.memory_space<hbm>>)
    return
  }
}

module attributes {stable_mosaic.version = 14 : i64} {
  func.func @_tr_body(%arg0: i32, %arg1: memref<32x8192xf32, #tpu.memory_space<vmem>>, %arg2: memref<32x8192xf32, #tpu.memory_space<vmem>>, %arg3: memref<32x8192xf32, #tpu.memory_space<vmem>>, %arg4: memref<32x8192xf32, #tpu.memory_space<vmem>>, %arg5: memref<8192x128xf32, #tpu.memory_space<vmem>>) attributes {dimension_semantics = [#tpu.dimension_semantics<arbitrary>], iteration_bounds = array<i64: 31>, scalar_prefetch = 0 : i64, scratch_operands = 0 : i64, tpu.core_type = #tpu.core_type<tc>, window_params = [{transform_indices = @transform_0, window_bounds = array<i64: 32, 8192>}, {transform_indices = @transform_1, window_bounds = array<i64: 32, 8192>}, {transform_indices = @transform_2, window_bounds = array<i64: 32, 8192>}, {transform_indices = @transform_3, window_bounds = array<i64: 32, 8192>}, {transform_indices = @transform_4, window_bounds = array<i64: 8192, 128>}]} {
    %iota3A = tpu.iota {dimensions = array<i32: 0>} : vector<128x128xi32>
    %iota3A_0 = tpu.iota {dimensions = array<i32: 1>} : vector<128x128xi32>
    %add3A = arith.constant 0 : i32
    %add3A_1 = vector.broadcast %add3A : i32 to vector<128x128xi32>
    %add3A_2 = arith.addi %iota3A, %add3A_1 : vector<128x128xi32>
    %eq3A = arith.cmpi eq, %add3A_2, %iota3A_0 : vector<128x128xi32>
    %convert_element_type3A = arith.extui %eq3A : vector<128x128xi1> to vector<128x128xi32>
    %convert_element_type3A_3 = arith.sitofp %convert_element_type3A : vector<128x128xi32> to vector<128x128xf32>
    %get3A = arith.constant 0 : index
    %get3A_4 = arith.constant 0 : index
    %get3A_5 = vector.load %arg1[%get3A, %get3A_4] : memref<32x8192xf32, #tpu.memory_space<vmem>>, vector<32x8192xf32>
    %slice3A = vector.extract_strided_slice %convert_element_type3A_3 {offsets = [0, 0], sizes = [32, 128], strides = [1, 1]} : vector<128x128xf32> to vector<32x128xf32>
    %dot_general3A = arith.constant dense<0.000000e+00> : vector<8192x128xf32>
    %dot_general3A_6 = tpu.matmul %get3A_5, %slice3A, %dot_general3A {dimension_numbers = #tpu.dot_dimension_numbers<[0], [0], [1], [1], [0, 1, 1, 1], [], []>, transpose_lhs_hint = false} : vector<32x8192xf32>, vector<32x128xf32>, vector<8192x128xf32> -> vector<8192x128xf32>
    %get3A_7 = arith.constant 0 : index
    %get3A_8 = arith.constant 0 : index
    %get3A_9 = vector.load %arg2[%get3A_7, %get3A_8] : memref<32x8192xf32, #tpu.memory_space<vmem>>, vector<32x8192xf32>
    %slice3A_10 = vector.extract_strided_slice %convert_element_type3A_3 {offsets = [32, 0], sizes = [32, 128], strides = [1, 1]} : vector<128x128xf32> to vector<32x128xf32>
    %dot_general3A_11 = arith.constant dense<0.000000e+00> : vector<8192x128xf32>
    %dot_general3A_12 = tpu.matmul %get3A_9, %slice3A_10, %dot_general3A_11 {dimension_numbers = #tpu.dot_dimension_numbers<[0], [0], [1], [1], [0, 1, 1, 1], [], []>, transpose_lhs_hint = false} : vector<32x8192xf32>, vector<32x128xf32>, vector<8192x128xf32> -> vector<8192x128xf32>
    %add3A_13 = arith.addf %dot_general3A_6, %dot_general3A_12 : vector<8192x128xf32>
    %get3A_14 = arith.constant 0 : index
    %get3A_15 = arith.constant 0 : index
    %get3A_16 = vector.load %arg3[%get3A_14, %get3A_15] : memref<32x8192xf32, #tpu.memory_space<vmem>>, vector<32x8192xf32>
    %slice3A_17 = vector.extract_strided_slice %convert_element_type3A_3 {offsets = [64, 0], sizes = [32, 128], strides = [1, 1]} : vector<128x128xf32> to vector<32x128xf32>
    %dot_general3A_18 = arith.constant dense<0.000000e+00> : vector<8192x128xf32>
    %dot_general3A_19 = tpu.matmul %get3A_16, %slice3A_17, %dot_general3A_18 {dimension_numbers = #tpu.dot_dimension_numbers<[0], [0], [1], [1], [0, 1, 1, 1], [], []>, transpose_lhs_hint = false} : vector<32x8192xf32>, vector<32x128xf32>, vector<8192x128xf32> -> vector<8192x128xf32>
    %add3A_20 = arith.addf %add3A_13, %dot_general3A_19 : vector<8192x128xf32>
    %get3A_21 = arith.constant 0 : index
    %get3A_22 = arith.constant 0 : index
    %get3A_23 = vector.load %arg4[%get3A_21, %get3A_22] : memref<32x8192xf32, #tpu.memory_space<vmem>>, vector<32x8192xf32>
    %slice3A_24 = vector.extract_strided_slice %convert_element_type3A_3 {offsets = [96, 0], sizes = [32, 128], strides = [1, 1]} : vector<128x128xf32> to vector<32x128xf32>
    %dot_general3A_25 = arith.constant dense<0.000000e+00> : vector<8192x128xf32>
    %dot_general3A_26 = tpu.matmul %get3A_23, %slice3A_24, %dot_general3A_25 {dimension_numbers = #tpu.dot_dimension_numbers<[0], [0], [1], [1], [0, 1, 1, 1], [], []>, transpose_lhs_hint = false} : vector<32x8192xf32>, vector<32x128xf32>, vector<8192x128xf32> -> vector<8192x128xf32>
    %add3A_27 = arith.addf %add3A_20, %dot_general3A_26 : vector<8192x128xf32>
    %swap3A = arith.constant 0 : index
    %swap3A_28 = arith.constant 0 : index
    %swap3A_29 = vector.load %arg5[%swap3A, %swap3A_28] : memref<8192x128xf32, #tpu.memory_space<vmem>>, vector<8192x128xf32>
    tpu.vector_store %arg5[%swap3A, %swap3A_28], %add3A_27 {strides = array<i32>} : memref<8192x128xf32, #tpu.memory_space<vmem>>, vector<8192x128xf32>,
    return
  }
  func.func @transform_0(%arg0: i32) -> (i32, i32) {
    %add3A = arith.constant 0 : i32
    %add3A_0 = arith.addi %arg0, %add3A : i32
    %min3A = arith.constant 122 : i32
    %min3A_1 = arith.minsi %add3A_0, %min3A : i32
    %c0_i32 = arith.constant 0 : i32
    %c0_i32_2 = arith.constant 0 : i32
    return %c0_i32, %min3A_1 : i32, i32
  }
  func.func @transform_1(%arg0: i32) -> (i32, i32) {
    %add3A = arith.constant 31 : i32
    %add3A_0 = arith.addi %arg0, %add3A : i32
    %min3A = arith.constant 122 : i32
    %min3A_1 = arith.minsi %add3A_0, %min3A : i32
    %c0_i32 = arith.constant 0 : i32
    %c0_i32_2 = arith.constant 0 : i32
    return %c0_i32, %min3A_1 : i32, i32
  }
  func.func @transform_2(%arg0: i32) -> (i32, i32) {
    %add3A = arith.constant 62 : i32
    %add3A_0 = arith.addi %arg0, %add3A : i32
    %min3A = arith.constant 122 : i32
    %min3A_1 = arith.minsi %add3A_0, %min3A : i32
    %c0_i32 = arith.constant 0 : i32
    %c0_i32_2 = arith.constant 0 : i32
    return %c0_i32, %min3A_1 : i32, i32
  }
  func.func @transform_3(%arg0: i32) -> (i32, i32) {
    %add3A = arith.constant 93 : i32
    %add3A_0 = arith.addi %arg0, %add3A : i32
    %min3A = arith.constant 122 : i32
    %min3A_1 = arith.minsi %add3A_0, %min3A : i32
    %c0_i32 = arith.constant 0 : i32
    %c0_i32_2 = arith.constant 0 : i32
    return %c0_i32, %min3A_1 : i32, i32
  }
  func.func @transform_4(%arg0: i32) -> (i32, i32) {
    %c0_i32 = arith.constant 0 : i32
    %c0_i32_0 = arith.constant 0 : i32
    return %arg0, %c0_i32 : i32, i32
  }
}

module attributes {stable_mosaic.version = 14 : i64} {
  func.func @_tc_body(%arg0: i32, %arg1: memref<2048x128xf32, #tpu.memory_space<vmem>>, %arg2: memref<2048x1xi32, #tpu.memory_space<vmem>>, %arg3: memref<2048x32xf32, #tpu.memory_space<vmem>>, %arg4: memref<5x2048x16xf32, #tpu.memory_space<vmem>>, %arg5: memref<2048x5xf32, #tpu.memory_space<vmem>>, %arg6: memref<2048x5xf32, #tpu.memory_space<vmem>>, %arg7: memref<2048x5xf32, #tpu.memory_space<vmem>>, %arg8: memref<2048x1xf32, #tpu.memory_space<vmem>>, %arg9: memref<2048x1xf32, #tpu.memory_space<vmem>>, %arg10: memref<5x5xf32, #tpu.memory_space<vmem>>, %arg11: memref<5x5xf32, #tpu.memory_space<vmem>>, %arg12: memref<5x5xf32, #tpu.memory_space<vmem>>, %arg13: memref<1x1xf32, #tpu.memory_space<vmem>>, %arg14: memref<1x1xf32, #tpu.memory_space<vmem>>, %arg15: memref<128x64xf32, #tpu.memory_space<vmem>>, %arg16: memref<32x64xf32, #tpu.memory_space<vmem>>, %arg17: memref<5x64xf32, #tpu.memory_space<vmem>>, %arg18: memref<5x64xf32, #tpu.memory_space<vmem>>, %arg19: memref<5x64xf32, #tpu.memory_space<vmem>>, %arg20: memref<1x64xf32, #tpu.memory_space<vmem>>, %arg21: memref<1x64xf32, #tpu.memory_space<vmem>>, %arg22: memref<5x16x64xf32, #tpu.memory_space<vmem>>, %arg23: memref<1x5xf32, #tpu.memory_space<vmem>>, %arg24: memref<1x5xf32, #tpu.memory_space<vmem>>, %arg25: memref<1x5xf32, #tpu.memory_space<vmem>>, %arg26: memref<1x1xf32, #tpu.memory_space<vmem>>, %arg27: memref<1x1xf32, #tpu.memory_space<vmem>>, %arg28: memref<1x64xf32, #tpu.memory_space<vmem>>, %arg29: memref<64x32xf32, #tpu.memory_space<vmem>>, %arg30: memref<1x32xf32, #tpu.memory_space<vmem>>, %arg31: memref<32x10xf32, #tpu.memory_space<vmem>>, %arg32: memref<1x10xf32, #tpu.memory_space<vmem>>, %arg33: memref<2048x10xf32, #tpu.memory_space<vmem>>) attributes {dimension_semantics = [#tpu.dimension_semantics<arbitrary>], iteration_bounds = array<i64: 8>, scalar_prefetch = 0 : i64, scratch_operands = 0 : i64, tpu.core_type = #tpu.core_type<tc>, window_params = [{transform_indices = @transform_0, window_bounds = array<i64: 2048, 128>}, {transform_indices = @transform_1, window_bounds = array<i64: 2048, 1>}, {transform_indices = @transform_2, window_bounds = array<i64: 2048, 32>}, {transform_indices = @transform_3, window_bounds = array<i64: 5, 2048, 16>}, {transform_indices = @transform_4, window_bounds = array<i64: 2048, 5>}, {transform_indices = @transform_5, window_bounds = array<i64: 2048, 5>}, {transform_indices = @transform_6, window_bounds = array<i64: 2048, 5>}, {transform_indices = @transform_7, window_bounds = array<i64: 2048, 1>}, {transform_indices = @transform_8, window_bounds = array<i64: 2048, 1>}, {pipeline_mode = #tpu.pipeline_mode<synchronous>, transform_indices = @transform_9, window_bounds = array<i64: 5, 5>}, {pipeline_mode = #tpu.pipeline_mode<synchronous>, transform_indices = @transform_10, window_bounds = array<i64: 5, 5>}, {pipeline_mode = #tpu.pipeline_mode<synchronous>, transform_indices = @transform_11, window_bounds = array<i64: 5, 5>}, {pipeline_mode = #tpu.pipeline_mode<synchronous>, transform_indices = @transform_12, window_bounds = array<i64: 1, 1>}, {pipeline_mode = #tpu.pipeline_mode<synchronous>, transform_indices = @transform_13, window_bounds = array<i64: 1, 1>}, {pipeline_mode = #tpu.pipeline_mode<synchronous>, transform_indices = @transform_14, window_bounds = array<i64: 128, 64>}, {pipeline_mode = #tpu.pipeline_mode<synchronous>, transform_indices = @transform_15, window_bounds = array<i64: 32, 64>}, {pipeline_mode = #tpu.pipeline_mode<synchronous>, transform_indices = @transform_16, window_bounds = array<i64: 5, 64>}, {pipeline_mode = #tpu.pipeline_mode<synchronous>, transform_indices = @transform_17, window_bounds = array<i64: 5, 64>}, {pipeline_mode = #tpu.pipeline_mode<synchronous>, transform_indices = @transform_18, window_bounds = array<i64: 5, 64>}, {pipeline_mode = #tpu.pipeline_mode<synchronous>, transform_indices = @transform_19, window_bounds = array<i64: 1, 64>}, {pipeline_mode = #tpu.pipeline_mode<synchronous>, transform_indices = @transform_20, window_bounds = array<i64: 1, 64>}, {pipeline_mode = #tpu.pipeline_mode<synchronous>, transform_indices = @transform_21, window_bounds = array<i64: 5, 16, 64>}, {pipeline_mode = #tpu.pipeline_mode<synchronous>, transform_indices = @transform_22, window_bounds = array<i64: 1, 5>}, {pipeline_mode = #tpu.pipeline_mode<synchronous>, transform_indices = @transform_23, window_bounds = array<i64: 1, 5>}, {pipeline_mode = #tpu.pipeline_mode<synchronous>, transform_indices = @transform_24, window_bounds = array<i64: 1, 5>}, {pipeline_mode = #tpu.pipeline_mode<synchronous>, transform_indices = @transform_25, window_bounds = array<i64: 1, 1>}, {pipeline_mode = #tpu.pipeline_mode<synchronous>, transform_indices = @transform_26, window_bounds = array<i64: 1, 1>}, {pipeline_mode = #tpu.pipeline_mode<synchronous>, transform_indices = @transform_27, window_bounds = array<i64: 1, 64>}, {pipeline_mode = #tpu.pipeline_mode<synchronous>, transform_indices = @transform_28, window_bounds = array<i64: 64, 32>}, {pipeline_mode = #tpu.pipeline_mode<synchronous>, transform_indices = @transform_29, window_bounds = array<i64: 1, 32>}, {pipeline_mode = #tpu.pipeline_mode<synchronous>, transform_indices = @transform_30, window_bounds = array<i64: 32, 10>}, {pipeline_mode = #tpu.pipeline_mode<synchronous>, transform_indices = @transform_31, window_bounds = array<i64: 1, 10>}, {transform_indices = @transform_32, window_bounds = array<i64: 2048, 10>}]} {
    %get3A = arith.constant 0 : index
    %get3A_0 = arith.constant 0 : index
    %get3A_1 = vector.load %arg1[%get3A, %get3A_0] : memref<2048x128xf32, #tpu.memory_space<vmem>>, vector<2048x128xf32>
    %get3A_2 = arith.constant 0 : index
    %get3A_3 = arith.constant 0 : index
    %get3A_4 = vector.load %arg2[%get3A_2, %get3A_3] : memref<2048x1xi32, #tpu.memory_space<vmem>>, vector<2048x1xi32>
    %iota3A = tpu.iota {dimensions = array<i32: 1>} : vector<2048x128xi32>
    %shift_right_arithmetic3A = arith.constant 5 : i32
    %shift_right_arithmetic3A_5 = vector.broadcast %shift_right_arithmetic3A : i32 to vector<2048x128xi32>
    %shift_right_arithmetic3A_6 = arith.shrsi %iota3A, %shift_right_arithmetic3A_5 : vector<2048x128xi32>
    %eq3A = vector.broadcast %get3A_4 : vector<2048x1xi32> to vector<2048x128xi32>
    %eq3A_7 = arith.cmpi eq, %shift_right_arithmetic3A_6, %eq3A : vector<2048x128xi32>
    %jit3A = arith.constant 0.000000e+00 : f32
    %broadcast_in_dim3A = vector.broadcast %jit3A : f32 to vector<2048x128xf32>
    %select_n3A = arith.select %eq3A_7, %get3A_1, %broadcast_in_dim3A : vector<2048x128xi1>, vector<2048x128xf32>
    %get3A_8 = arith.constant 0 : index
    %get3A_9 = arith.constant 0 : index
    %get3A_10 = vector.load %arg15[%get3A_8, %get3A_9] : memref<128x64xf32, #tpu.memory_space<vmem>>, vector<128x64xf32>
    %dot_general3A = arith.constant dense<0.000000e+00> : vector<2048x64xf32>
    %dot_general3A_11 = tpu.matmul %select_n3A, %get3A_10, %dot_general3A {dimension_numbers = #tpu.dot_dimension_numbers<[1], [0], [0], [1], [0, 0, 1, 1], [], []>, transpose_lhs_hint = false} : vector<2048x128xf32>, vector<128x64xf32>, vector<2048x64xf32> -> vector<2048x64xf32>
    %get3A_12 = arith.constant 0 : index
    %get3A_13 = arith.constant 0 : index
    %get3A_14 = vector.load %arg3[%get3A_12, %get3A_13] : memref<2048x32xf32, #tpu.memory_space<vmem>>, vector<2048x32xf32>
    %get3A_15 = arith.constant 0 : index
    %get3A_16 = arith.constant 0 : index
    %get3A_17 = vector.load %arg16[%get3A_15, %get3A_16] : memref<32x64xf32, #tpu.memory_space<vmem>>, vector<32x64xf32>
    %dot_general3A_18 = arith.constant dense<0.000000e+00> : vector<2048x64xf32>
    %dot_general3A_19 = tpu.matmul %get3A_14, %get3A_17, %dot_general3A_18 {dimension_numbers = #tpu.dot_dimension_numbers<[1], [0], [0], [1], [0, 0, 1, 1], [], []>, transpose_lhs_hint = false} : vector<2048x32xf32>, vector<32x64xf32>, vector<2048x64xf32> -> vector<2048x64xf32>
    %add3A = arith.addf %dot_general3A_11, %dot_general3A_19 : vector<2048x64xf32>
    %get3A_20 = arith.constant 0 : index
    %get3A_21 = arith.constant 0 : index
    %get3A_22 = arith.constant 0 : index
    %get3A_23 = vector.load %arg4[%get3A_20, %get3A_21, %get3A_22] : memref<5x2048x16xf32, #tpu.memory_space<vmem>>, vector<1x2048x16xf32>
    %get3A_24 = vector.shape_cast %get3A_23 : vector<1x2048x16xf32> to vector<2048x16xf32>
    %get3A_25 = arith.constant 0 : index
    %get3A_26 = arith.constant 0 : index
    %get3A_27 = arith.constant 0 : index
    %get3A_28 = vector.load %arg22[%get3A_25, %get3A_26, %get3A_27] : memref<5x16x64xf32, #tpu.memory_space<vmem>>, vector<1x16x64xf32>
    %get3A_29 = vector.shape_cast %get3A_28 : vector<1x16x64xf32> to vector<16x64xf32>
    %dot_general3A_30 = arith.constant dense<0.000000e+00> : vector<2048x64xf32>
    %dot_general3A_31 = tpu.matmul %get3A_24, %get3A_29, %dot_general3A_30 {dimension_numbers = #tpu.dot_dimension_numbers<[1], [0], [0], [1], [0, 0, 1, 1], [], []>, transpose_lhs_hint = false} : vector<2048x16xf32>, vector<16x64xf32>, vector<2048x64xf32> -> vector<2048x64xf32>
    %add3A_32 = arith.addf %add3A, %dot_general3A_31 : vector<2048x64xf32>
    %get3A_33 = arith.constant 1 : index
    %get3A_34 = arith.constant 0 : index
    %get3A_35 = arith.constant 0 : index
    %get3A_36 = vector.load %arg4[%get3A_33, %get3A_34, %get3A_35] : memref<5x2048x16xf32, #tpu.memory_space<vmem>>, vector<1x2048x16xf32>
    %get3A_37 = vector.shape_cast %get3A_36 : vector<1x2048x16xf32> to vector<2048x16xf32>
    %get3A_38 = arith.constant 1 : index
    %get3A_39 = arith.constant 0 : index
    %get3A_40 = arith.constant 0 : index
    %get3A_41 = vector.load %arg22[%get3A_38, %get3A_39, %get3A_40] : memref<5x16x64xf32, #tpu.memory_space<vmem>>, vector<1x16x64xf32>
    %get3A_42 = vector.shape_cast %get3A_41 : vector<1x16x64xf32> to vector<16x64xf32>
    %dot_general3A_43 = arith.constant dense<0.000000e+00> : vector<2048x64xf32>
    %dot_general3A_44 = tpu.matmul %get3A_37, %get3A_42, %dot_general3A_43 {dimension_numbers = #tpu.dot_dimension_numbers<[1], [0], [0], [1], [0, 0, 1, 1], [], []>, transpose_lhs_hint = false} : vector<2048x16xf32>, vector<16x64xf32>, vector<2048x64xf32> -> vector<2048x64xf32>
    %add3A_45 = arith.addf %add3A_32, %dot_general3A_44 : vector<2048x64xf32>
    %get3A_46 = arith.constant 2 : index
    %get3A_47 = arith.constant 0 : index
    %get3A_48 = arith.constant 0 : index
    %get3A_49 = vector.load %arg4[%get3A_46, %get3A_47, %get3A_48] : memref<5x2048x16xf32, #tpu.memory_space<vmem>>, vector<1x2048x16xf32>
    %get3A_50 = vector.shape_cast %get3A_49 : vector<1x2048x16xf32> to vector<2048x16xf32>
    %get3A_51 = arith.constant 2 : index
    %get3A_52 = arith.constant 0 : index
    %get3A_53 = arith.constant 0 : index
    %get3A_54 = vector.load %arg22[%get3A_51, %get3A_52, %get3A_53] : memref<5x16x64xf32, #tpu.memory_space<vmem>>, vector<1x16x64xf32>
    %get3A_55 = vector.shape_cast %get3A_54 : vector<1x16x64xf32> to vector<16x64xf32>
    %dot_general3A_56 = arith.constant dense<0.000000e+00> : vector<2048x64xf32>
    %dot_general3A_57 = tpu.matmul %get3A_50, %get3A_55, %dot_general3A_56 {dimension_numbers = #tpu.dot_dimension_numbers<[1], [0], [0], [1], [0, 0, 1, 1], [], []>, transpose_lhs_hint = false} : vector<2048x16xf32>, vector<16x64xf32>, vector<2048x64xf32> -> vector<2048x64xf32>
    %add3A_58 = arith.addf %add3A_45, %dot_general3A_57 : vector<2048x64xf32>
    %get3A_59 = arith.constant 3 : index
    %get3A_60 = arith.constant 0 : index
    %get3A_61 = arith.constant 0 : index
    %get3A_62 = vector.load %arg4[%get3A_59, %get3A_60, %get3A_61] : memref<5x2048x16xf32, #tpu.memory_space<vmem>>, vector<1x2048x16xf32>
    %get3A_63 = vector.shape_cast %get3A_62 : vector<1x2048x16xf32> to vector<2048x16xf32>
    %get3A_64 = arith.constant 3 : index
    %get3A_65 = arith.constant 0 : index
    %get3A_66 = arith.constant 0 : index
    %get3A_67 = vector.load %arg22[%get3A_64, %get3A_65, %get3A_66] : memref<5x16x64xf32, #tpu.memory_space<vmem>>, vector<1x16x64xf32>
    %get3A_68 = vector.shape_cast %get3A_67 : vector<1x16x64xf32> to vector<16x64xf32>
    %dot_general3A_69 = arith.constant dense<0.000000e+00> : vector<2048x64xf32>
    %dot_general3A_70 = tpu.matmul %get3A_63, %get3A_68, %dot_general3A_69 {dimension_numbers = #tpu.dot_dimension_numbers<[1], [0], [0], [1], [0, 0, 1, 1], [], []>, transpose_lhs_hint = false} : vector<2048x16xf32>, vector<16x64xf32>, vector<2048x64xf32> -> vector<2048x64xf32>
    %add3A_71 = arith.addf %add3A_58, %dot_general3A_70 : vector<2048x64xf32>
    %get3A_72 = arith.constant 4 : index
    %get3A_73 = arith.constant 0 : index
    %get3A_74 = arith.constant 0 : index
    %get3A_75 = vector.load %arg4[%get3A_72, %get3A_73, %get3A_74] : memref<5x2048x16xf32, #tpu.memory_space<vmem>>, vector<1x2048x16xf32>
    %get3A_76 = vector.shape_cast %get3A_75 : vector<1x2048x16xf32> to vector<2048x16xf32>
    %get3A_77 = arith.constant 4 : index
    %get3A_78 = arith.constant 0 : index
    %get3A_79 = arith.constant 0 : index
    %get3A_80 = vector.load %arg22[%get3A_77, %get3A_78, %get3A_79] : memref<5x16x64xf32, #tpu.memory_space<vmem>>, vector<1x16x64xf32>
    %get3A_81 = vector.shape_cast %get3A_80 : vector<1x16x64xf32> to vector<16x64xf32>
    %dot_general3A_82 = arith.constant dense<0.000000e+00> : vector<2048x64xf32>
    %dot_general3A_83 = tpu.matmul %get3A_76, %get3A_81, %dot_general3A_82 {dimension_numbers = #tpu.dot_dimension_numbers<[1], [0], [0], [1], [0, 0, 1, 1], [], []>, transpose_lhs_hint = false} : vector<2048x16xf32>, vector<16x64xf32>, vector<2048x64xf32> -> vector<2048x64xf32>
    %add3A_84 = arith.addf %add3A_71, %dot_general3A_83 : vector<2048x64xf32>
    %get3A_85 = arith.constant 0 : index
    %get3A_86 = arith.constant 0 : index
    %get3A_87 = vector.load %arg5[%get3A_85, %get3A_86] : memref<2048x5xf32, #tpu.memory_space<vmem>>, vector<2048x5xf32>
    %get3A_88 = arith.constant 0 : index
    %get3A_89 = arith.constant 0 : index
    %get3A_90 = vector.load %arg10[%get3A_88, %get3A_89] : memref<5x5xf32, #tpu.memory_space<vmem>>, vector<5x5xf32>
    %get3A_91 = arith.constant 0 : index
    %get3A_92 = arith.constant 0 : index
    %get3A_93 = vector.load %arg17[%get3A_91, %get3A_92] : memref<5x64xf32, #tpu.memory_space<vmem>>, vector<5x64xf32>
    %dot_general3A_94 = arith.constant dense<0.000000e+00> : vector<5x64xf32>
    %dot_general3A_95 = tpu.matmul %get3A_90, %get3A_93, %dot_general3A_94 {dimension_numbers = #tpu.dot_dimension_numbers<[1], [0], [0], [1], [0, 0, 1, 1], [], []>, transpose_lhs_hint = false} : vector<5x5xf32>, vector<5x64xf32>, vector<5x64xf32> -> vector<5x64xf32>
    %dot_general3A_96 = arith.constant dense<0.000000e+00> : vector<2048x64xf32>
    %dot_general3A_97 = tpu.matmul %get3A_87, %dot_general3A_95, %dot_general3A_96 {dimension_numbers = #tpu.dot_dimension_numbers<[1], [0], [0], [1], [0, 0, 1, 1], [], []>, transpose_lhs_hint = false} : vector<2048x5xf32>, vector<5x64xf32>, vector<2048x64xf32> -> vector<2048x64xf32>
    %add3A_98 = arith.addf %add3A_84, %dot_general3A_97 : vector<2048x64xf32>
    %get3A_99 = arith.constant 0 : index
    %get3A_100 = arith.constant 0 : index
    %get3A_101 = vector.load %arg6[%get3A_99, %get3A_100] : memref<2048x5xf32, #tpu.memory_space<vmem>>, vector<2048x5xf32>
    %get3A_102 = arith.constant 0 : index
    %get3A_103 = arith.constant 0 : index
    %get3A_104 = vector.load %arg11[%get3A_102, %get3A_103] : memref<5x5xf32, #tpu.memory_space<vmem>>, vector<5x5xf32>
    %get3A_105 = arith.constant 0 : index
    %get3A_106 = arith.constant 0 : index
    %get3A_107 = vector.load %arg18[%get3A_105, %get3A_106] : memref<5x64xf32, #tpu.memory_space<vmem>>, vector<5x64xf32>
    %dot_general3A_108 = arith.constant dense<0.000000e+00> : vector<5x64xf32>
    %dot_general3A_109 = tpu.matmul %get3A_104, %get3A_107, %dot_general3A_108 {dimension_numbers = #tpu.dot_dimension_numbers<[1], [0], [0], [1], [0, 0, 1, 1], [], []>, transpose_lhs_hint = false} : vector<5x5xf32>, vector<5x64xf32>, vector<5x64xf32> -> vector<5x64xf32>
    %dot_general3A_110 = arith.constant dense<0.000000e+00> : vector<2048x64xf32>
    %dot_general3A_111 = tpu.matmul %get3A_101, %dot_general3A_109, %dot_general3A_110 {dimension_numbers = #tpu.dot_dimension_numbers<[1], [0], [0], [1], [0, 0, 1, 1], [], []>, transpose_lhs_hint = false} : vector<2048x5xf32>, vector<5x64xf32>, vector<2048x64xf32> -> vector<2048x64xf32>
    %add3A_112 = arith.addf %add3A_98, %dot_general3A_111 : vector<2048x64xf32>
    %get3A_113 = arith.constant 0 : index
    %get3A_114 = arith.constant 0 : index
    %get3A_115 = vector.load %arg7[%get3A_113, %get3A_114] : memref<2048x5xf32, #tpu.memory_space<vmem>>, vector<2048x5xf32>
    %get3A_116 = arith.constant 0 : index
    %get3A_117 = arith.constant 0 : index
    %get3A_118 = vector.load %arg12[%get3A_116, %get3A_117] : memref<5x5xf32, #tpu.memory_space<vmem>>, vector<5x5xf32>
    %get3A_119 = arith.constant 0 : index
    %get3A_120 = arith.constant 0 : index
    %get3A_121 = vector.load %arg19[%get3A_119, %get3A_120] : memref<5x64xf32, #tpu.memory_space<vmem>>, vector<5x64xf32>
    %dot_general3A_122 = arith.constant dense<0.000000e+00> : vector<5x64xf32>
    %dot_general3A_123 = tpu.matmul %get3A_118, %get3A_121, %dot_general3A_122 {dimension_numbers = #tpu.dot_dimension_numbers<[1], [0], [0], [1], [0, 0, 1, 1], [], []>, transpose_lhs_hint = false} : vector<5x5xf32>, vector<5x64xf32>, vector<5x64xf32> -> vector<5x64xf32>
    %dot_general3A_124 = arith.constant dense<0.000000e+00> : vector<2048x64xf32>
    %dot_general3A_125 = tpu.matmul %get3A_115, %dot_general3A_123, %dot_general3A_124 {dimension_numbers = #tpu.dot_dimension_numbers<[1], [0], [0], [1], [0, 0, 1, 1], [], []>, transpose_lhs_hint = false} : vector<2048x5xf32>, vector<5x64xf32>, vector<2048x64xf32> -> vector<2048x64xf32>
    %add3A_126 = arith.addf %add3A_112, %dot_general3A_125 : vector<2048x64xf32>
    %get3A_127 = arith.constant 0 : index
    %get3A_128 = arith.constant 0 : index
    %get3A_129 = vector.load %arg8[%get3A_127, %get3A_128] : memref<2048x1xf32, #tpu.memory_space<vmem>>, vector<2048x1xf32>
    %get3A_130 = arith.constant 0 : index
    %get3A_131 = arith.constant 0 : index
    %get3A_132 = vector.load %arg13[%get3A_130, %get3A_131] : memref<1x1xf32, #tpu.memory_space<vmem>>, vector<1x1xf32>
    %get3A_133 = arith.constant 0 : index
    %get3A_134 = arith.constant 0 : index
    %get3A_135 = vector.load %arg20[%get3A_133, %get3A_134] : memref<1x64xf32, #tpu.memory_space<vmem>>, vector<1x64xf32>
    %dot_general3A_136 = arith.constant dense<0.000000e+00> : vector<1x64xf32>
    %dot_general3A_137 = tpu.matmul %get3A_132, %get3A_135, %dot_general3A_136 {dimension_numbers = #tpu.dot_dimension_numbers<[1], [0], [0], [1], [0, 0, 1, 1], [], []>, transpose_lhs_hint = false} : vector<1x1xf32>, vector<1x64xf32>, vector<1x64xf32> -> vector<1x64xf32>
    %dot_general3A_138 = arith.constant dense<0.000000e+00> : vector<2048x64xf32>
    %dot_general3A_139 = tpu.matmul %get3A_129, %dot_general3A_137, %dot_general3A_138 {dimension_numbers = #tpu.dot_dimension_numbers<[1], [0], [0], [1], [0, 0, 1, 1], [], []>, transpose_lhs_hint = false} : vector<2048x1xf32>, vector<1x64xf32>, vector<2048x64xf32> -> vector<2048x64xf32>
    %add3A_140 = arith.addf %add3A_126, %dot_general3A_139 : vector<2048x64xf32>
    %get3A_141 = arith.constant 0 : index
    %get3A_142 = arith.constant 0 : index
    %get3A_143 = vector.load %arg9[%get3A_141, %get3A_142] : memref<2048x1xf32, #tpu.memory_space<vmem>>, vector<2048x1xf32>
    %get3A_144 = arith.constant 0 : index
    %get3A_145 = arith.constant 0 : index
    %get3A_146 = vector.load %arg14[%get3A_144, %get3A_145] : memref<1x1xf32, #tpu.memory_space<vmem>>, vector<1x1xf32>
    %get3A_147 = arith.constant 0 : index
    %get3A_148 = arith.constant 0 : index
    %get3A_149 = vector.load %arg21[%get3A_147, %get3A_148] : memref<1x64xf32, #tpu.memory_space<vmem>>, vector<1x64xf32>
    %dot_general3A_150 = arith.constant dense<0.000000e+00> : vector<1x64xf32>
    %dot_general3A_151 = tpu.matmul %get3A_146, %get3A_149, %dot_general3A_150 {dimension_numbers = #tpu.dot_dimension_numbers<[1], [0], [0], [1], [0, 0, 1, 1], [], []>, transpose_lhs_hint = false} : vector<1x1xf32>, vector<1x64xf32>, vector<1x64xf32> -> vector<1x64xf32>
    %dot_general3A_152 = arith.constant dense<0.000000e+00> : vector<2048x64xf32>
    %dot_general3A_153 = tpu.matmul %get3A_143, %dot_general3A_151, %dot_general3A_152 {dimension_numbers = #tpu.dot_dimension_numbers<[1], [0], [0], [1], [0, 0, 1, 1], [], []>, transpose_lhs_hint = false} : vector<2048x1xf32>, vector<1x64xf32>, vector<2048x64xf32> -> vector<2048x64xf32>
    %add3A_154 = arith.addf %add3A_140, %dot_general3A_153 : vector<2048x64xf32>
    %get3A_155 = arith.constant 0 : index
    %get3A_156 = arith.constant 0 : index
    %get3A_157 = vector.load %arg28[%get3A_155, %get3A_156] : memref<1x64xf32, #tpu.memory_space<vmem>>, vector<1x64xf32>
    %get3A_158 = arith.constant 0 : index
    %get3A_159 = arith.constant 0 : index
    %get3A_160 = vector.load %arg23[%get3A_158, %get3A_159] : memref<1x5xf32, #tpu.memory_space<vmem>>, vector<1x5xf32>
    %get3A_161 = arith.constant 0 : index
    %get3A_162 = arith.constant 0 : index
    %get3A_163 = vector.load %arg17[%get3A_161, %get3A_162] : memref<5x64xf32, #tpu.memory_space<vmem>>, vector<5x64xf32>
    %dot_general3A_164 = arith.constant dense<0.000000e+00> : vector<1x64xf32>
    %dot_general3A_165 = tpu.matmul %get3A_160, %get3A_163, %dot_general3A_164 {dimension_numbers = #tpu.dot_dimension_numbers<[1], [0], [0], [1], [0, 0, 1, 1], [], []>, transpose_lhs_hint = false} : vector<1x5xf32>, vector<5x64xf32>, vector<1x64xf32> -> vector<1x64xf32>
    %add3A_166 = arith.addf %get3A_157, %dot_general3A_165 : vector<1x64xf32>
    %get3A_167 = arith.constant 0 : index
    %get3A_168 = arith.constant 0 : index
    %get3A_169 = vector.load %arg24[%get3A_167, %get3A_168] : memref<1x5xf32, #tpu.memory_space<vmem>>, vector<1x5xf32>
    %get3A_170 = arith.constant 0 : index
    %get3A_171 = arith.constant 0 : index
    %get3A_172 = vector.load %arg18[%get3A_170, %get3A_171] : memref<5x64xf32, #tpu.memory_space<vmem>>, vector<5x64xf32>
    %dot_general3A_173 = arith.constant dense<0.000000e+00> : vector<1x64xf32>
    %dot_general3A_174 = tpu.matmul %get3A_169, %get3A_172, %dot_general3A_173 {dimension_numbers = #tpu.dot_dimension_numbers<[1], [0], [0], [1], [0, 0, 1, 1], [], []>, transpose_lhs_hint = false} : vector<1x5xf32>, vector<5x64xf32>, vector<1x64xf32> -> vector<1x64xf32>
    %add3A_175 = arith.addf %add3A_166, %dot_general3A_174 : vector<1x64xf32>
    %get3A_176 = arith.constant 0 : index
    %get3A_177 = arith.constant 0 : index
    %get3A_178 = vector.load %arg25[%get3A_176, %get3A_177] : memref<1x5xf32, #tpu.memory_space<vmem>>, vector<1x5xf32>
    %get3A_179 = arith.constant 0 : index
    %get3A_180 = arith.constant 0 : index
    %get3A_181 = vector.load %arg19[%get3A_179, %get3A_180] : memref<5x64xf32, #tpu.memory_space<vmem>>, vector<5x64xf32>
    %dot_general3A_182 = arith.constant dense<0.000000e+00> : vector<1x64xf32>
    %dot_general3A_183 = tpu.matmul %get3A_178, %get3A_181, %dot_general3A_182 {dimension_numbers = #tpu.dot_dimension_numbers<[1], [0], [0], [1], [0, 0, 1, 1], [], []>, transpose_lhs_hint = false} : vector<1x5xf32>, vector<5x64xf32>, vector<1x64xf32> -> vector<1x64xf32>
    %add3A_184 = arith.addf %add3A_175, %dot_general3A_183 : vector<1x64xf32>
    %get3A_185 = arith.constant 0 : index
    %get3A_186 = arith.constant 0 : index
    %get3A_187 = vector.load %arg26[%get3A_185, %get3A_186] : memref<1x1xf32, #tpu.memory_space<vmem>>, vector<1x1xf32>
    %get3A_188 = arith.constant 0 : index
    %get3A_189 = arith.constant 0 : index
    %get3A_190 = vector.load %arg20[%get3A_188, %get3A_189] : memref<1x64xf32, #tpu.memory_space<vmem>>, vector<1x64xf32>
    %dot_general3A_191 = arith.constant dense<0.000000e+00> : vector<1x64xf32>
    %dot_general3A_192 = tpu.matmul %get3A_187, %get3A_190, %dot_general3A_191 {dimension_numbers = #tpu.dot_dimension_numbers<[1], [0], [0], [1], [0, 0, 1, 1], [], []>, transpose_lhs_hint = false} : vector<1x1xf32>, vector<1x64xf32>, vector<1x64xf32> -> vector<1x64xf32>
    %add3A_193 = arith.addf %add3A_184, %dot_general3A_192 : vector<1x64xf32>
    %get3A_194 = arith.constant 0 : index
    %get3A_195 = arith.constant 0 : index
    %get3A_196 = vector.load %arg27[%get3A_194, %get3A_195] : memref<1x1xf32, #tpu.memory_space<vmem>>, vector<1x1xf32>
    %get3A_197 = arith.constant 0 : index
    %get3A_198 = arith.constant 0 : index
    %get3A_199 = vector.load %arg21[%get3A_197, %get3A_198] : memref<1x64xf32, #tpu.memory_space<vmem>>, vector<1x64xf32>
    %dot_general3A_200 = arith.constant dense<0.000000e+00> : vector<1x64xf32>
    %dot_general3A_201 = tpu.matmul %get3A_196, %get3A_199, %dot_general3A_200 {dimension_numbers = #tpu.dot_dimension_numbers<[1], [0], [0], [1], [0, 0, 1, 1], [], []>, transpose_lhs_hint = false} : vector<1x1xf32>, vector<1x64xf32>, vector<1x64xf32> -> vector<1x64xf32>
    %add3A_202 = arith.addf %add3A_193, %dot_general3A_201 : vector<1x64xf32>
    %add3A_203 = vector.broadcast %add3A_202 : vector<1x64xf32> to vector<2048x64xf32>
    %add3A_204 = arith.addf %add3A_154, %add3A_203 : vector<2048x64xf32>
    %max3A = arith.constant 0.000000e+00 : f32
    %max3A_205 = vector.broadcast %max3A : f32 to vector<2048x64xf32>
    %max3A_206 = arith.maximumf %add3A_204, %max3A_205 : vector<2048x64xf32>
    %get3A_207 = arith.constant 0 : index
    %get3A_208 = arith.constant 0 : index
    %get3A_209 = vector.load %arg29[%get3A_207, %get3A_208] : memref<64x32xf32, #tpu.memory_space<vmem>>, vector<64x32xf32>
    %dot_general3A_210 = arith.constant dense<0.000000e+00> : vector<2048x32xf32>
    %dot_general3A_211 = tpu.matmul %max3A_206, %get3A_209, %dot_general3A_210 {dimension_numbers = #tpu.dot_dimension_numbers<[1], [0], [0], [1], [0, 0, 1, 1], [], []>, transpose_lhs_hint = false} : vector<2048x64xf32>, vector<64x32xf32>, vector<2048x32xf32> -> vector<2048x32xf32>
    %get3A_212 = arith.constant 0 : index
    %get3A_213 = arith.constant 0 : index
    %get3A_214 = vector.load %arg30[%get3A_212, %get3A_213] : memref<1x32xf32, #tpu.memory_space<vmem>>, vector<1x32xf32>
    %add3A_215 = vector.broadcast %get3A_214 : vector<1x32xf32> to vector<2048x32xf32>
    %add3A_216 = arith.addf %dot_general3A_211, %add3A_215 : vector<2048x32xf32>
    %max3A_217 = arith.constant 0.000000e+00 : f32
    %max3A_218 = vector.broadcast %max3A_217 : f32 to vector<2048x32xf32>
    %max3A_219 = arith.maximumf %add3A_216, %max3A_218 : vector<2048x32xf32>
    %get3A_220 = arith.constant 0 : index
    %get3A_221 = arith.constant 0 : index
    %get3A_222 = vector.load %arg31[%get3A_220, %get3A_221] : memref<32x10xf32, #tpu.memory_space<vmem>>, vector<32x10xf32>
    %dot_general3A_223 = arith.constant dense<0.000000e+00> : vector<2048x10xf32>
    %dot_general3A_224 = tpu.matmul %max3A_219, %get3A_222, %dot_general3A_223 {dimension_numbers = #tpu.dot_dimension_numbers<[1], [0], [0], [1], [0, 0, 1, 1], [], []>, transpose_lhs_hint = false} : vector<2048x32xf32>, vector<32x10xf32>, vector<2048x10xf32> -> vector<2048x10xf32>
    %get3A_225 = arith.constant 0 : index
    %get3A_226 = arith.constant 0 : index
    %get3A_227 = vector.load %arg32[%get3A_225, %get3A_226] : memref<1x10xf32, #tpu.memory_space<vmem>>, vector<1x10xf32>
    %add3A_228 = vector.broadcast %get3A_227 : vector<1x10xf32> to vector<2048x10xf32>
    %add3A_229 = arith.addf %dot_general3A_224, %add3A_228 : vector<2048x10xf32>
    %swap3A = arith.constant 0 : index
    %swap3A_230 = arith.constant 0 : index
    %swap3A_231 = vector.load %arg33[%swap3A, %swap3A_230] : memref<2048x10xf32, #tpu.memory_space<vmem>>, vector<2048x10xf32>
    tpu.vector_store %arg33[%swap3A, %swap3A_230], %add3A_229 {strides = array<i32>} : memref<2048x10xf32, #tpu.memory_space<vmem>>, vector<2048x10xf32>,
    return
  }
  func.func @transform_0(%arg0: i32) -> (i32, i32) {
    %c0_i32 = arith.constant 0 : i32
    %c0_i32_0 = arith.constant 0 : i32
    return %arg0, %c0_i32 : i32, i32
  }
  func.func @transform_1(%arg0: i32) -> (i32, i32) {
    %c0_i32 = arith.constant 0 : i32
    %c0_i32_0 = arith.constant 0 : i32
    return %arg0, %c0_i32 : i32, i32
  }
  func.func @transform_2(%arg0: i32) -> (i32, i32) {
    %c0_i32 = arith.constant 0 : i32
    %c0_i32_0 = arith.constant 0 : i32
    return %arg0, %c0_i32 : i32, i32
  }
  func.func @transform_3(%arg0: i32) -> (i32, i32, i32) {
    %c0_i32 = arith.constant 0 : i32
    %c0_i32_0 = arith.constant 0 : i32
    %c0_i32_1 = arith.constant 0 : i32
    return %c0_i32, %arg0, %c0_i32_0 : i32, i32, i32
  }
  func.func @transform_4(%arg0: i32) -> (i32, i32) {
    %c0_i32 = arith.constant 0 : i32
    %c0_i32_0 = arith.constant 0 : i32
    return %arg0, %c0_i32 : i32, i32
  }
  func.func @transform_5(%arg0: i32) -> (i32, i32) {
    %c0_i32 = arith.constant 0 : i32
    %c0_i32_0 = arith.constant 0 : i32
    return %arg0, %c0_i32 : i32, i32
  }
  func.func @transform_6(%arg0: i32) -> (i32, i32) {
    %c0_i32 = arith.constant 0 : i32
    %c0_i32_0 = arith.constant 0 : i32
    return %arg0, %c0_i32 : i32, i32
  }
  func.func @transform_7(%arg0: i32) -> (i32, i32) {
    %c0_i32 = arith.constant 0 : i32
    %c0_i32_0 = arith.constant 0 : i32
    return %arg0, %c0_i32 : i32, i32
  }
  func.func @transform_8(%arg0: i32) -> (i32, i32) {
    %c0_i32 = arith.constant 0 : i32
    %c0_i32_0 = arith.constant 0 : i32
    return %arg0, %c0_i32 : i32, i32
  }
  func.func @transform_9(%arg0: i32) -> (i32, i32) {
    %c0_i32 = arith.constant 0 : i32
    %c0_i32_0 = arith.constant 0 : i32
    %c0_i32_1 = arith.constant 0 : i32
    return %c0_i32, %c0_i32_0 : i32, i32
  }
  func.func @transform_10(%arg0: i32) -> (i32, i32) {
    %c0_i32 = arith.constant 0 : i32
    %c0_i32_0 = arith.constant 0 : i32
    %c0_i32_1 = arith.constant 0 : i32
    return %c0_i32, %c0_i32_0 : i32, i32
  }
  func.func @transform_11(%arg0: i32) -> (i32, i32) {
    %c0_i32 = arith.constant 0 : i32
    %c0_i32_0 = arith.constant 0 : i32
    %c0_i32_1 = arith.constant 0 : i32
    return %c0_i32, %c0_i32_0 : i32, i32
  }
  func.func @transform_12(%arg0: i32) -> (i32, i32) {
    %c0_i32 = arith.constant 0 : i32
    %c0_i32_0 = arith.constant 0 : i32
    %c0_i32_1 = arith.constant 0 : i32
    return %c0_i32, %c0_i32_0 : i32, i32
  }
  func.func @transform_13(%arg0: i32) -> (i32, i32) {
    %c0_i32 = arith.constant 0 : i32
    %c0_i32_0 = arith.constant 0 : i32
    %c0_i32_1 = arith.constant 0 : i32
    return %c0_i32, %c0_i32_0 : i32, i32
  }
  func.func @transform_14(%arg0: i32) -> (i32, i32) {
    %c0_i32 = arith.constant 0 : i32
    %c0_i32_0 = arith.constant 0 : i32
    %c0_i32_1 = arith.constant 0 : i32
    return %c0_i32, %c0_i32_0 : i32, i32
  }
  func.func @transform_15(%arg0: i32) -> (i32, i32) {
    %c0_i32 = arith.constant 0 : i32
    %c0_i32_0 = arith.constant 0 : i32
    %c0_i32_1 = arith.constant 0 : i32
    return %c0_i32, %c0_i32_0 : i32, i32
  }
  func.func @transform_16(%arg0: i32) -> (i32, i32) {
    %c0_i32 = arith.constant 0 : i32
    %c0_i32_0 = arith.constant 0 : i32
    %c0_i32_1 = arith.constant 0 : i32
    return %c0_i32, %c0_i32_0 : i32, i32
  }
  func.func @transform_17(%arg0: i32) -> (i32, i32) {
    %c0_i32 = arith.constant 0 : i32
    %c0_i32_0 = arith.constant 0 : i32
    %c0_i32_1 = arith.constant 0 : i32
    return %c0_i32, %c0_i32_0 : i32, i32
  }
  func.func @transform_18(%arg0: i32) -> (i32, i32) {
    %c0_i32 = arith.constant 0 : i32
    %c0_i32_0 = arith.constant 0 : i32
    %c0_i32_1 = arith.constant 0 : i32
    return %c0_i32, %c0_i32_0 : i32, i32
  }
  func.func @transform_19(%arg0: i32) -> (i32, i32) {
    %c0_i32 = arith.constant 0 : i32
    %c0_i32_0 = arith.constant 0 : i32
    %c0_i32_1 = arith.constant 0 : i32
    return %c0_i32, %c0_i32_0 : i32, i32
  }
  func.func @transform_20(%arg0: i32) -> (i32, i32) {
    %c0_i32 = arith.constant 0 : i32
    %c0_i32_0 = arith.constant 0 : i32
    %c0_i32_1 = arith.constant 0 : i32
    return %c0_i32, %c0_i32_0 : i32, i32
  }
  func.func @transform_21(%arg0: i32) -> (i32, i32, i32) {
    %c0_i32 = arith.constant 0 : i32
    %c0_i32_0 = arith.constant 0 : i32
    %c0_i32_1 = arith.constant 0 : i32
    %c0_i32_2 = arith.constant 0 : i32
    return %c0_i32, %c0_i32_0, %c0_i32_1 : i32, i32, i32
  }
  func.func @transform_22(%arg0: i32) -> (i32, i32) {
    %c0_i32 = arith.constant 0 : i32
    %c0_i32_0 = arith.constant 0 : i32
    %c0_i32_1 = arith.constant 0 : i32
    return %c0_i32, %c0_i32_0 : i32, i32
  }
  func.func @transform_23(%arg0: i32) -> (i32, i32) {
    %c0_i32 = arith.constant 0 : i32
    %c0_i32_0 = arith.constant 0 : i32
    %c0_i32_1 = arith.constant 0 : i32
    return %c0_i32, %c0_i32_0 : i32, i32
  }
  func.func @transform_24(%arg0: i32) -> (i32, i32) {
    %c0_i32 = arith.constant 0 : i32
    %c0_i32_0 = arith.constant 0 : i32
    %c0_i32_1 = arith.constant 0 : i32
    return %c0_i32, %c0_i32_0 : i32, i32
  }
  func.func @transform_25(%arg0: i32) -> (i32, i32) {
    %c0_i32 = arith.constant 0 : i32
    %c0_i32_0 = arith.constant 0 : i32
    %c0_i32_1 = arith.constant 0 : i32
    return %c0_i32, %c0_i32_0 : i32, i32
  }
  func.func @transform_26(%arg0: i32) -> (i32, i32) {
    %c0_i32 = arith.constant 0 : i32
    %c0_i32_0 = arith.constant 0 : i32
    %c0_i32_1 = arith.constant 0 : i32
    return %c0_i32, %c0_i32_0 : i32, i32
  }
  func.func @transform_27(%arg0: i32) -> (i32, i32) {
    %c0_i32 = arith.constant 0 : i32
    %c0_i32_0 = arith.constant 0 : i32
    %c0_i32_1 = arith.constant 0 : i32
    return %c0_i32, %c0_i32_0 : i32, i32
  }
  func.func @transform_28(%arg0: i32) -> (i32, i32) {
    %c0_i32 = arith.constant 0 : i32
    %c0_i32_0 = arith.constant 0 : i32
    %c0_i32_1 = arith.constant 0 : i32
    return %c0_i32, %c0_i32_0 : i32, i32
  }
  func.func @transform_29(%arg0: i32) -> (i32, i32) {
    %c0_i32 = arith.constant 0 : i32
    %c0_i32_0 = arith.constant 0 : i32
    %c0_i32_1 = arith.constant 0 : i32
    return %c0_i32, %c0_i32_0 : i32, i32
  }
  func.func @transform_30(%arg0: i32) -> (i32, i32) {
    %c0_i32 = arith.constant 0 : i32
    %c0_i32_0 = arith.constant 0 : i32
    %c0_i32_1 = arith.constant 0 : i32
    return %c0_i32, %c0_i32_0 : i32, i32
  }
  func.func @transform_31(%arg0: i32) -> (i32, i32) {
    %c0_i32 = arith.constant 0 : i32
    %c0_i32_0 = arith.constant 0 : i32
    %c0_i32_1 = arith.constant 0 : i32
    return %c0_i32, %c0_i32_0 : i32, i32
  }
  func.func @transform_32(%arg0: i32) -> (i32, i32) {
    %c0_i32 = arith.constant 0 : i32
    %c0_i32_0 = arith.constant 0 : i32
    return %arg0, %c0_i32 : i32, i32
  }
}

</mosaic_0001>

<sc_bundles>
// kernel: kernel.5.cloned.1.call-start
scs
__scs_entry_jumppad:
0x0: {  	(pc) =	sbr.rel $0x88, $3  }
0x1: {  	(tag) =	ssettag $0x0;
	lr =	simm.s32 $0x1  }
0x2: {  	[smem:$0x3F7E] =	sst lr;
	_ =	strace $0xD0000000  }
0x3: {  	_ = 	snop  }
0x4: {  	_ = 	snop  }
0x5: {  	_ = 	snop  }
0x6: {  	_ = 	snop  }
0x7: {  	_ = 	snop  }
__scs_overlays_trampoline_lowered:
0x8: {  	[smem:$0x3F8D] =	sst s0  }
0x9: {  	[smem:$0x3F8E] =	sst s1  }
0xa: {  	[smem:$0x3F8F] =	sst s2  }
0xb: {  	[smem:$0x3F90] =	sst s3  }
0xc: {  	[smem:$0x3F91] =	sst s4  }
0xd: {  	[smem:$0x3F92] =	sst s5  }
0xe: {  	[smem:$0x3F93] =	sst s6  }
0xf: {  	[smem:$0x3F94] =	sst s7  }
0x10: {  	[smem:$0x3F95] =	sst s8  }
0x11: {  	[smem:$0x3F96] =	sst s9;
	s0 =	simm.s32 @!p0 $0x0  }
0x12: {  	s1 =	sld [smem:$0x3F7C];
	s0 =	simm.s32 @p0 $0x1  }
0x13: {  	[smem:$0x3F97] =	sst s0;
	s0 =	simm.s32 @!p1 $0x0  }
0x14: {  	s2 =	sld [smem:$0x3F7B];
	s0 =	simm.s32 @p1 $0x1  }
0x15: {  	[smem:$0x3F98] =	sst s0;
	s0 =	simm.s32 @!p2 $0x0  }
0x16: {  	s3 =	sld [smem:$0x3FDB];
	s0 =	simm.s32 @p2 $0x1  }
0x17: {  	s4 =	simm.s32 $0x1BF5;
	[smem:$0x3F9A] =	sst s0  }
0x18: {  	s0 =	sld [smem:$0x3F7D];
	_ =	swait.ge [sflag:s4], $0x0  }
0x19: {  	s7 =	sld [smem:$0x3F7E]  }
0x1a: {  	s8 =	sadd.s32 $0xFFFFE003, lr  }
0x1b: {  	s9 =	sadd.s32 $0xFFFFFEF7, lr;
	s5 =	simm.s32 $0xFFFFFFFF;
	p2 =	slt.u32 s8, $0xFFFFF086  }
0x1c: {  	p1 =	slt.u32 s9, $0xF7A;
	s5 =	simm.s32 @!p2 $0x0  }
0x1d: {  	s5 =	simm.s32 @p1 $0x1;
	p0 =	seq.s32 s7, s2  }
0x1e: {  	s7 =	smul.u32 @!p0 $0xF7A, s2;
	p2 =	seq.s32 @!p0 s5, $0x0  }
0x1f: {  	s9 =	smul.u32 $0xF7A, s1;
	s8 =	simm.s32 @!p0 $0x1BF5;
	p2 =	por !p2, p0  }
0x20: {  	[sflag:s8] =	ssyncset.s32 @!p0 $0xFFFFF086;
	s6 =	sadd.s32 @!p0 s3, s7;
	s7 =	simm.s32 @!p0 $0x108  }
0x21: {  	s3 =	sadd.s32 s3, s9;
	s6 =	sadd.s32 @!p0 $0x88, s6;
	s7 =	simm.s32 @p2 $0x1082  }
0x22: {  	[simem:s7], [sflag:s8] =	dma.local @!p0 [hbm:s6], $0xF7A  }
0x23: {  	s9 =	sor.u32 $0xD0000000, s2;
	s6 =	simm.s32 $0x108;
	_ =	swait.ge @!p0 [sflag:s8], $0x0  }
0x24: {  	s3 =	sadd.s32 $0x88, s3;
	s6 =	simm.s32 @!p1 $0x1082;
	[sflag:s4] =	ssyncset.s32 $0xFFFFF086  }
0x25: {  	[simem:s6], [sflag:s4] =	dma.local [hbm:s3], $0xF7A  }
0x26: {  	[smem:$0x3F7E] =	sst s1;
	(tag) =	ssettag s2;
	_ =	strace s9  }
0x27: {  	s1 =	sld [smem:$0x3F8E]  }
0x28: {  	s2 =	sld [smem:$0x3F8F]  }
0x29: {  	s4 =	sld [smem:$0x3F91]  }
0x2a: {  	p0 =	seq.s32 s5, $0x0;
	s5 =	sld [smem:$0x3F92]  }
0x2b: {  	s6 =	sld [smem:$0x3F93]  }
0x2c: {  	s7 =	sld [smem:$0x3F94]  }
0x2d: {  	s3 =	simm.s32 $0x108;
	s8 =	sld [smem:$0x3F95]  }
0x2e: {  	s3 =	simm.s32 @!p0 $0x1082;
	s9 =	sld [smem:$0x3F96]  }
0x2f: {  	lr =	sadd.s32 s0, s3;
	s0 =	sld [smem:$0x3F8D]  }
0x30: {  	s3 =	sld [smem:$0x3F90]  }
0x31: {  	[smem:$0x3F99] =	sst s10  }
0x32: {  	s10 =	sld [smem:$0x3F97];
	_ =	sdelay $0x3  }
0x33: {  	p0 =	seq.s32 s10, $0x1;
	s10 =	sld [smem:$0x3F99];
	_ =	sdelay $0x3  }
0x34: {  	[smem:$0x3F99] =	sst s10  }
0x35: {  	s10 =	sld [smem:$0x3F98];
	_ =	sdelay $0x3  }
0x36: {  	p1 =	seq.s32 s10, $0x1;
	s10 =	sld [smem:$0x3F99];
	_ =	sdelay $0x3  }
0x37: {  	[smem:$0x3F99] =	sst s10  }
0x38: {  	s10 =	sld [smem:$0x3F9A]  }
0x39: {  	_ = 	snop;
	(pc) =	sbr.ind lr, $3  }
0x3a: {  	_ = 	snop  }
0x3b: {  	_ = 	snop  }
0x3c: {  	p2 =	seq.s32 s10, $0x1;
	s10 =	sld [smem:$0x3F99]  }
0x3d: {  	_ =	shalt  }
0x3e: {  	_ =	shalt  }
0x3f: {  	_ =	shalt  }
0x40: {  	_ =	shalt  }
0x41: {  	_ =	shalt  }
0x42: {  	_ =	shalt  }
0x43: {  	_ =	shalt  }
0x44: {  	_ =	shalt  }
0x45: {  	_ =	shalt  }
0x46: {  	_ =	shalt  }
0x47: {  	_ =	shalt  }
0x48: {  	_ =	shalt  }
0x49: {  	_ =	shalt  }
0x4a: {  	_ =	shalt  }
0x4b: {  	_ =	shalt  }
0x4c: {  	_ =	shalt  }
0x4d: {  	_ =	shalt  }
0x4e: {  	_ =	shalt  }
0x4f: {  	_ =	shalt  }
0x50: {  	_ =	shalt  }
0x51: {  	_ =	shalt  }
0x52: {  	_ =	shalt  }
0x53: {  	_ =	shalt  }
0x54: {  	_ =	shalt  }
0x55: {  	_ =	shalt  }
0x56: {  	_ =	shalt  }
0x57: {  	_ =	shalt  }
0x58: {  	_ =	shalt  }
0x59: {  	_ =	shalt  }
0x5a: {  	_ =	shalt  }
0x5b: {  	_ =	shalt  }
0x5c: {  	_ =	shalt  }
0x5d: {  	_ =	shalt  }
0x5e: {  	_ =	shalt  }
0x5f: {  	_ =	shalt  }
0x60: {  	_ =	shalt  }
0x61: {  	_ =	shalt  }
0x62: {  	_ =	shalt  }
0x63: {  	_ =	shalt  }
0x64: {  	_ =	shalt  }
0x65: {  	_ =	shalt  }
0x66: {  	_ =	shalt  }
0x67: {  	_ =	shalt  }
0x68: {  	_ =	shalt  }
0x69: {  	_ =	shalt  }
0x6a: {  	_ =	shalt  }
0x6b: {  	_ =	shalt  }
0x6c: {  	_ =	shalt  }
0x6d: {  	_ =	shalt  }
0x6e: {  	_ =	shalt  }
0x6f: {  	_ =	shalt  }
0x70: {  	_ =	shalt  }
0x71: {  	_ =	shalt  }
0x72: {  	_ =	shalt  }
0x73: {  	_ =	shalt  }
0x74: {  	_ =	shalt  }
0x75: {  	_ =	shalt  }
0x76: {  	_ =	shalt  }
0x77: {  	_ =	shalt  }
0x78: {  	_ =	shalt  }
0x79: {  	_ =	shalt  }
0x7a: {  	_ =	shalt  }
0x7b: {  	_ =	shalt  }
0x7c: {  	_ =	shalt  }
0x7d: {  	_ =	shalt  }
0x7e: {  	_ =	shalt  }
0x7f: {  	_ =	shalt  }
0x80: {  	_ =	shalt  }
0x81: {  	_ =	shalt  }
0x82: {  	_ =	shalt  }
0x83: {  	_ =	shalt  }
0x84: {  	_ =	shalt  }
0x85: {  	_ =	shalt  }
0x86: {  	_ =	shalt  }
0x87: {  	_ =	shalt  }
.Lfunc_end0:
.L_simem_size_0:
called_computation_lowered:
.L_overlay_start_0:
0x88: {  	s2 =	sld [smem:$0x3FD9]  }
0x89: {  	s3 =	sld [smem:$0x3FFE];
	_ =	sdelay $0x1  }
0x8a: {  	s1 =	srdreg.scid  }
0x8b: {  	s0 =	sand.u32 $0x1, s1  }
0x8c: {  	s17 =	sshll.u32 s0, $0xA;
	s2 =	sadd.s32 s3, s2  }
0x8d: {  	s2 =	sadd.s32 s2, s17  }
0x8e: {  	[smem:$0x3FA5] =	sst s2  }
0x8f: {  	_ = 	snop  }
0x90: {  	s2 =	sld [smem:$0x3FC8]  }
0x91: {  	s18 =	sld [smem:$0x3FC2]  }
0x92: {  	s4 =	sld [smem:$0x3FD0];
	(tm) =	ssettm $0x1  }
0x93: {  	s5 =	sld [smem:$0x3FFB];
	_ =	sdelay $0x3  }
0x94: {  	_ =	strace s5  }
0x95: {  	s5 =	sld [smem:$0x3FFC];
	_ =	sdelay $0x3  }
0x96: {  	_ =	strace s5  }
0x97: {  	s5 =	sld [smem:$0x3FFD];
	_ =	sdelay $0x3  }
0x98: {  	_ =	strace s5  }
0x99: {  	_ =	strace $0x8FFFFFFF  }
0x9a: {  	s19 =	sld [smem:$0x3FDB];
	_ =	sdelay $0x1  }
0x9b: {  	s6 =	simm.s32 $_scs_section_size  }
0x9c: {  	s7 =	simm.s32 $_size__tile_overlayer_lowered;
	s8 =	simm.s32 $_tile_overlayer_lowered  }
0x9d: {  	s22 =	simm.s32 $0x1BFF;
	s21 =	sshll.u32 s8, $0x1;
	s5 =	sadd.s32 s6, s19  }
0x9e: {  	s9 =	simm.s32 $0x0;
	s20 =	sshll.u32 s7, $0x1;
	s7 =	sadd.s32 s21, s5  }
0x9f: {  	[timem:s9], [sflag:s22] =	dma.local [hbm:s7], s20  }
0xa0: {  	_ =	swait.ge [sflag:s22], s20  }
0xa1: {  	s6 =	ssub.s32 $0x0, s20;
	[sflag:s22] =	ssyncset.done $0x0  }
0xa2: {  	[sflag:s22] =	ssyncadd.s32 s6;
	_ =	sdelay $0x1  }
0xa3: {  	s23 =	simm.s32 $0x1B8B  }
0xa4: {  	_ =	swait.ge [sflag:s23], $0x1  }
0xa5: {  	[sflag:s23] =	ssyncset.done $0x0  }
0xa6: {  	s25 =	simm.s32 $0x1B8E;
	s24 =	sld [smem:$0x3FFE];
	[sflag:s23] =	ssyncadd.s32 $0xFFFFFFFF  }
0xa7: {  	s26 =	simm.s32 $execute0_lowered;
	[smem:$0x3FD2] =	sst s25  }
0xa8: {  	s7 =	sshll.u32 s26, $0x1;
	_ =	strace $0x80000046;
	[dreg:$0x1] =	wrdreg $0xFFFFFFFF  }
0xa9: {  	s28 =	simm.s32 $_size_execute0_lowered;
	s5 =	sadd.s32 s5, s7;
	[dreg:$0x0] =	wrdreg $0x0  }
0xaa: {  	s7 =	sshll.u32 s28, $0x1;
	[dreg:$0x2] =	wrdreg s5  }
0xab: {  	[dreg:$0x3] =	wrdreg s7  }
0xac: {  	[dreg:$0x4] =	wrdreg $0xC0  }
0xad: {  	_ =	task [dreg:s9], $0x5FFFF  }
0xae: {  	[dreg:$0x1] =	wrdreg $0xFFFFFFFF  }
0xaf: {  	[dreg:$0x0] =	wrdreg $0x60  }
0xb0: {  	[dreg:$0x2] =	wrdreg s24  }
0xb1: {  	[dreg:$0x3] =	wrdreg s4  }
0xb2: {  	[dreg:$0x4] =	wrdreg s2  }
0xb3: {  	[dreg:$0x5] =	wrdreg s18  }
0xb4: {  	[dreg:$0x6] =	wrdreg $0x9  }
0xb5: {  	_ =	task.clear_ibuf [dreg:s9], $0x7FFFF;
	_ =	strace $0x90000046  }
0xb6: {  	s29 =	simm.s32 $0x9;
	_ =	strace $0x80000048  }
0xb7: {  	_ =	swait.ge [sflag:s29], $0x1  }
0xb8: {  	[sflag:s29] =	ssyncadd.s32 $0xFFFFFFFF  }
0xb9: {  	_ =	strace $0x90000048  }
0xba: {  	_ =	sfence  }
0xbb: {  	s30 =	sld [smem:$0x0];
	_ =	sdelay $0x2  }
0xbc: {  	s31 =	sshll.u32 s1, $0xD;
	s1 =	sshrl.u32 s1, $0x2  }
0xbd: {  	s3 =	sand.u32 $0x4000, s31;
	s1 =	sadd.s32 s1, s30  }
0xbe: {  	s0 =	sor.u32 s3, s0;
	s1 =	sshll.u32 s1, $0x11  }
0xbf: {  	s0 =	sor.u32 s1, s0  }
0xc0: {  	s0 =	sadd.s32 $0x8F2B, s0  }
0xc1: {  	[sflag:s0] =	ssyncadd.remote.s32 $0x1  }
0xc2: {  	_ =	sfence.sel $0xFFFF  }
0xc3: {  	[dreg:$0x0] =	wrdreg $0xFFFFFFFF;
	(pc) =	sbr.abs _section_cstart, $3  }
0xc4: {  	[dreg:$0x1] =	wrdreg $0xFFFFFFFF  }
0xc5: {  	_ =	task.clear_ibuf [dreg:s9], $0x2FFFF;
	_ =	strace $0x9FFFFFFF  }
0xc6: {  	(tm) =	ssettm $0x7FFFFFFF  }
0xc7: {  	_ =	shalt  }
tec
execute0_lowered:
.L_overlay_start_1:
0x0: {  	(tag) =	ssettag $0x1  }
0x1: {  	s14 =	rddreg [dreg:$0x0]  }
0x2: {  	s2 =	rddreg [dreg:$0x1]  }
0x3: {  	s3 =	stileid.u32;
	s4 =	rddreg [dreg:$0x2]  }
0x4: {  	s5 =	rddreg [dreg:$0x3];
	s21 =	sshll.u32 s3, $0x1;
	s3 =	simm.s32 $0x0  }
0x5: {  	s12 =	simm.s32 $0x4E00;
	[smem:$0x7FF] =	sst s3  }
0x6: {  	s13 =	simm.s32 $0x100;
	_ =	strace $0x80000047;
	[dreg:$0x13] =	wrdreg s12  }
0x7: {  	s15 =	simm.s32 $0x8E00;
	[dreg:$0x14] =	wrdreg s13  }
0x8: {  	s16 =	simm.s32 $0x180;
	[dreg:$0x15] =	wrdreg s15  }
0x9: {  	s17 =	simm.s32 $0xCE00;
	[dreg:$0x16] =	wrdreg s16  }
0xa: {  	s18 =	simm.s32 $0x280;
	[dreg:$0x17] =	wrdreg s17  }
0xb: {  	s0 =	srdreg.scid;
	s19 =	simm.s32 $0x11E00;
	[dreg:$0x18] =	wrdreg s18  }
0xc: {  	s20 =	simm.s32 $0x300;
	s1 =	sand.u32 $0x1, s0;
	[dreg:$0x19] =	wrdreg s19  }
0xd: {  	s0 =	sor.u32 s1, s21;
	s21 =	simm.s32 $0x12E00;
	[dreg:$0x1a] =	wrdreg s20  }
0xe: {  	[dreg:$0x1b] =	wrdreg s21;
	s12 =	simm.s32 $0x19600  }
0xf: {  	s13 =	simm.s32 $0x900;
	[smem:$0x7F7] =	sst s12  }
0x10: {  	s15 =	simm.s32 $0x19E00;
	[smem:$0x7F9] =	sst s13  }
0x11: {  	s16 =	simm.s32 $0x980;
	[smem:$0x7EB] =	sst s15  }
0x12: {  	s17 =	simm.s32 $0x1A600;
	[smem:$0x7FA] =	sst s16  }
0x13: {  	s18 =	simm.s32 $0xA80;
	[smem:$0x7EA] =	sst s17  }
0x14: {  	s6 =	sshll.u32 s0, $0x6;
	s19 =	simm.s32 $0x1B600;
	[smem:$0x7FC] =	sst s18  }
0x15: {  	s23 =	sshll.u32 s0, $0xD;
	s20 =	simm.s32 $0xB00;
	[smem:$0x7FB] =	sst s19  }
0x16: {  	s26 =	sshll.u32 s0, $0xB;
	s4 =	sadd.s32 s4, s6;
	[smem:$0x7FD] =	sst s20  }
0x17: {  	s7 =	sadd.s32 s6, s14;
	s22 =	sadd.s32 s5, s6;
	[dreg:$0x6] =	wrdreg s4  }
0x18: {  	s5 =	sadd.s32 s23, s14;
	s23 =	simm.s32 $0x13E00;
	[dreg:$0x7] =	wrdreg s22  }
0x19: {  	s6 =	sadd.s32 s26, s14;
	s26 =	simm.s32 $0x500;
	[dreg:$0x1d] =	wrdreg s23  }
0x1a: {  	s8 =	sadd.s32 $0x416000, s7;
	[smem:$0x7EF] =	sst s26  }
0x1b: {  	s24 =	sadd.s32 $0x416800, s7;
	[dreg:$0x5] =	wrdreg s8  }
0x1c: {  	s25 =	sadd.s32 $0x417000, s7;
	[dreg:$0x8] =	wrdreg s24  }
0x1d: {  	s28 =	sadd.s32 $0x417800, s7;
	[dreg:$0x9] =	wrdreg s25  }
0x1e: {  	s29 =	sadd.s32 $0x418000, s7;
	[dreg:$0xa] =	wrdreg s28  }
0x1f: {  	s0 =	sshll.u32 s0, $0xA;
	s5 =	sadd.s32 $0x450800, s5;
	[dreg:$0xb] =	wrdreg s29  }
0x20: {  	s0 =	sadd.s32 s0, s14;
	s7 =	sadd.s32 $0x418800, s6;
	[dreg:$0xc] =	wrdreg s5  }
0x21: {  	s9 =	sadd.s32 $0x430800, s0;
	[dreg:$0xd] =	wrdreg s7  }
0x22: {  	s10 =	sadd.s32 $0x438800, s0;
	[dreg:$0xf] =	wrdreg s9  }
0x23: {  	s11 =	sadd.s32 $0x440800, s0;
	[dreg:$0x10] =	wrdreg s10  }
0x24: {  	s22 =	simm.s32 $0x380;
	[dreg:$0x11] =	wrdreg s11  }
0x25: {  	s4 =	simm.s32 $0x16600;
	[dreg:$0x1c] =	wrdreg s22  }
0x26: {  	s6 =	simm.s32 $0x17600;
	[smem:$0x7F0] =	sst s4  }
0x27: {  	[smem:$0x7F2] =	sst s6  }
0x28: {  	s22 =	rddreg [dreg:$0x6]  }
0x29: {  	s8 =	sadd.s32 $0x428800, s0;
	s23 =	rddreg [dreg:$0x7]  }
0x2a: {  	s0 =	sadd.s32 $0x448800, s0;
	[dreg:$0xe] =	wrdreg s8  }
0x2b: {  	s24 =	simm.s32 $0x480;
	[dreg:$0x12] =	wrdreg s0  }
0x2c: {  	s25 =	simm.s32 $0x15600;
	[dreg:$0x1e] =	wrdreg s24  }
0x2d: {  	s28 =	simm.s32 $0x15E00;
	[dreg:$0x1f] =	wrdreg s25  }
0x2e: {  	s29 =	simm.s32 $0x580;
	[smem:$0x7EE] =	sst s28  }
0x2f: {  	s5 =	simm.s32 $0x680;
	[smem:$0x7F1] =	sst s29  }
0x30: {  	s7 =	simm.s32 $0x700;
	[smem:$0x7F3] =	sst s5  }
0x31: {  	s9 =	simm.s32 $0x780;
	[smem:$0x7F4] =	sst s7  }
0x32: {  	s10 =	simm.s32 $0x18600;
	[smem:$0x7F6] =	sst s9  }
0x33: {  	s11 =	simm.s32 $0x880;
	[smem:$0x7EC] =	sst s10  }
0x34: {  	[smem:$0x7F8] =	sst s11  }
0x35: {  	s21 =	rddreg [dreg:$0x5]  }
0x36: {  	[tilespmem:s3], [sflag:$0x1] =	stream.linear.gather [hbm4b:s21+s3], $0x200, $0x38;
	[tilespmem:$0x1EE00] =	vst v63  }
0x37: {  	s4 =	simm.s32 $0x200;
	s24 =	rddreg [dreg:$0x8]  }
0x38: {  	[tilespmem:s4], [sflag:$0x1] =	stream.linear.gather [hbm4b:s22+s3], $0x200, $0x38;
	[tilespmem:$0x1EE00] =	vst v63  }
0x39: {  	s5 =	simm.s32 $0x400;
	s25 =	rddreg [dreg:$0x9]  }
0x3a: {  	[tilespmem:s5], [sflag:$0x1] =	stream.linear.gather [hbm4b:s23+s3], $0x200, $0x38;
	[tilespmem:$0x1EE00] =	vst v63  }
0x3b: {  	s6 =	simm.s32 $0x600;
	s26 =	rddreg [dreg:$0xa]  }
0x3c: {  	[tilespmem:s6], [sflag:$0x1] =	stream.linear.gather [hbm4b:s24+s3], $0x200, $0x38;
	[tilespmem:$0x1EE00] =	vst v63  }
0x3d: {  	s8 =	simm.s32 $0x17E00;
	s7 =	simm.s32 $0x800;
	s12 =	rddreg [dreg:$0xb]  }
0x3e: {  	[tilespmem:s7], [sflag:$0x1] =	stream.linear.gather [hbm4b:s25+s3], $0x200, $0x38;
	[tilespmem:$0x1EE00] =	vst v63  }
0x3f: {  	s11 =	simm.s32 $0x1BE00;
	[smem:$0x7ED] =	sst s8;
	s8 =	simm.s32 $0xA00  }
0x40: {  	[tilespmem:s8], [sflag:$0x1] =	stream.linear.gather [hbm4b:s26+s3], $0x200, $0x38;
	[tilespmem:$0x1EE00] =	vst v63  }
0x41: {  	s9 =	simm.s32 $0xC00;
	s10 =	simm.s32 $0x1;
	[smem:$0x7F5] =	sst s11  }
0x42: {  	[tilespmem:s9], [sflag:$0x1] =	stream.linear.gather [hbm4b:s12+s3], $0x200, $0x38;
	[tilespmem:$0x1EE00] =	vst v63  }
0x43: {  	_ =	swait.ge [sflag:s10], $0x200  }
0x44: {  	[sflag:s10] =	ssyncset.done $0x0  }
0x45: {  	[sflag:s10] =	ssyncadd.s32 $0xFFFFFE00  }
0x46: {  	_ =	swait.ge [sflag:s10], $0x200  }
0x47: {  	[sflag:s10] =	ssyncset.done $0x0  }
0x48: {  	[sflag:s10] =	ssyncadd.s32 $0xFFFFFE00  }
0x49: {  	_ =	swait.ge [sflag:s10], $0x200  }
0x4a: {  	[sflag:s10] =	ssyncset.done $0x0  }
0x4b: {  	[sflag:s10] =	ssyncadd.s32 $0xFFFFFE00  }
0x4c: {  	_ =	swait.ge [sflag:s10], $0x200  }
0x4d: {  	[sflag:s10] =	ssyncset.done $0x0  }
0x4e: {  	[sflag:s10] =	ssyncadd.s32 $0xFFFFFE00  }
0x4f: {  	_ =	swait.ge [sflag:s10], $0x200  }
0x50: {  	[sflag:s10] =	ssyncset.done $0x0  }
0x51: {  	[sflag:s10] =	ssyncadd.s32 $0xFFFFFE00  }
0x52: {  	_ =	swait.ge [sflag:s10], $0x200  }
0x53: {  	[sflag:s10] =	ssyncset.done $0x0  }
0x54: {  	[sflag:s10] =	ssyncadd.s32 $0xFFFFFE00  }
0x55: {  	_ =	swait.ge [sflag:s10], $0x200  }
0x56: {  	s0 =	sld [smem:$0x7EA]  }
0x57: {  	s19 =	sld [smem:$0x7EB]  }
0x58: {  	s18 =	sld [smem:$0x7EC]  }
0x59: {  	s20 =	sld [smem:$0x7ED]  }
0x5a: {  	s17 =	sld [smem:$0x7EE]  }
0x5b: {  	s16 =	rddreg [dreg:$0x1b]  }
0x5c: {  	s15 =	rddreg [dreg:$0x14]  }
0x5d: {  	s21 =	rddreg [dreg:$0x13]  }
0x5e: {  	s22 =	rddreg [dreg:$0x15]  }
0x5f: {  	s13 =	simm.s32 $0xE00;
	s23 =	rddreg [dreg:$0x17]  }
0x60: {  	s11 =	sadd.s32 $0x4C00, s14;
	[sflag:s10] =	ssyncset.done $0x0;
	s28 =	rddreg [dreg:$0x16]  }
0x61: {  	s12 =	simm.s32 $0x80;
	s29 =	rddreg [dreg:$0x19];
	[sflag:s10] =	ssyncadd.s32 $0xFFFFFE00  }
0x62: {  	[tilespmem:s13], [sflag:$0x2] =	stream.indirect.gather [hbm4b:s11+s12], $0x80, s3, s12, $0xb8;
	[tilespmem:$0x1EE00] =	vst v63  }
0x63: {  	s24 =	rddreg [dreg:$0x1a]  }
0x64: {  	[tilespmem:s21], [sflag:$0x2] =	stream.indirect.gather [hbm4b:s11+s12], $0x80, s12, s12, $0xb8;
	[tilespmem:$0x1EE00] =	vst v63  }
0x65: {  	s25 =	rddreg [dreg:$0x1d]  }
0x66: {  	[tilespmem:s22], [sflag:$0x2] =	stream.indirect.gather [hbm4b:s11+s12], $0x80, s15, s12, $0xb8;
	[tilespmem:$0x1EE00] =	vst v63  }
0x67: {  	s26 =	rddreg [dreg:$0x1c]  }
0x68: {  	[tilespmem:s23], [sflag:$0x2] =	stream.indirect.gather [hbm4b:s11+s12], $0x80, s28, s12, $0xb8;
	[tilespmem:$0x1EE00] =	vst v63  }
0x69: {  	s14 =	sadd.s32 $0x3E4C00, s14;
	s15 =	simm.s32 $0x10E00;
	s22 =	sld [smem:$0x7FA]  }
0x6a: {  	[tilespmem:s15], [sflag:$0x2] =	stream.indirect.gather [hbm4b:s14+s12], $0x20, s4, s12, $0xb8;
	[tilespmem:$0x1EE00] =	vst v63  }
0x6b: {  	s23 =	rddreg [dreg:$0x18]  }
0x6c: {  	[tilespmem:s29], [sflag:$0x2] =	stream.indirect.gather [hbm4b:s14+s12], $0x20, s23, s12, $0xb8;
	[tilespmem:$0x1EE00] =	vst v63  }
0x6d: {  	s28 =	rddreg [dreg:$0x1f]  }
0x6e: {  	[tilespmem:s16], [sflag:$0x2] =	stream.indirect.gather [hbm4b:s14+s12], $0x20, s24, s12, $0xb8;
	[tilespmem:$0x1EE00] =	vst v63  }
0x6f: {  	s29 =	rddreg [dreg:$0x1e]  }
0x70: {  	[tilespmem:s25], [sflag:$0x2] =	stream.indirect.gather [hbm4b:s14+s12], $0x20, s26, s12, $0xb8;
	[tilespmem:$0x1EE00] =	vst v63  }
0x71: {  	s4 =	simm.s32 $0x14E00;
	s23 =	sld [smem:$0x7F0]  }
0x72: {  	[tilespmem:s4], [sflag:$0x2] =	stream.indirect.gather [hbm4b:s2+s12], $0x10, s5, s12, $0xb8;
	[tilespmem:$0x1EE00] =	vst v63  }
0x73: {  	s16 =	sld [smem:$0x7EF]  }
0x74: {  	[tilespmem:s28], [sflag:$0x2] =	stream.indirect.gather [hbm4b:s2+s12], $0x10, s29, s12, $0xb8;
	[tilespmem:$0x1EE00] =	vst v63  }
0x75: {  	s24 =	sld [smem:$0x7F1]  }
0x76: {  	[tilespmem:s17], [sflag:$0x2] =	stream.indirect.gather [hbm4b:s2+s12], $0x10, s16, s12, $0xb8;
	[tilespmem:$0x1EE00] =	vst v63  }
0x77: {  	s25 =	sld [smem:$0x7F2]  }
0x78: {  	[tilespmem:s23], [sflag:$0x2] =	stream.indirect.gather [hbm4b:s2+s12], $0x10, s24, s12, $0xb8;
	[tilespmem:$0x1EE00] =	vst v63  }
0x79: {  	s26 =	sld [smem:$0x7F3];
	s5 =	simm.s32 $0x16E00  }
0x7a: {  	[tilespmem:s5], [sflag:$0x2] =	stream.indirect.gather [hbm4b:s2+s12], $0x10, s6, s12, $0xb8;
	[tilespmem:$0x1EE00] =	vst v63  }
0x7b: {  	s28 =	sld [smem:$0x7F4]  }
0x7c: {  	[tilespmem:s25], [sflag:$0x2] =	stream.indirect.gather [hbm4b:s2+s12], $0x10, s26, s12, $0xb8;
	[tilespmem:$0x1EE00] =	vst v63  }
0x7d: {  	s6 =	sld [smem:$0x7F6]  }
0x7e: {  	[tilespmem:s20], [sflag:$0x2] =	stream.indirect.gather [hbm4b:s2+s12], $0x10, s28, s12, $0xb8;
	[tilespmem:$0x1EE00] =	vst v63  }
0x7f: {  	s16 =	sld [smem:$0x7F7]  }
0x80: {  	[tilespmem:s18], [sflag:$0x2] =	stream.indirect.gather [hbm4b:s2+s12], $0x10, s6, s12, $0xb8;
	[tilespmem:$0x1EE00] =	vst v63  }
0x81: {  	s17 =	sld [smem:$0x7F8];
	s6 =	simm.s32 $0x18E00  }
0x82: {  	[tilespmem:s6], [sflag:$0x2] =	stream.indirect.gather [hbm4b:s2+s12], $0x10, s7, s12, $0xb8;
	[tilespmem:$0x1EE00] =	vst v63  }
0x83: {  	s18 =	sld [smem:$0x7F9]  }
0x84: {  	[tilespmem:s16], [sflag:$0x2] =	stream.indirect.gather [hbm4b:s2+s12], $0x10, s17, s12, $0xb8;
	[tilespmem:$0x1EE00] =	vst v63  }
0x85: {  	s29 =	sld [smem:$0x7F5]  }
0x86: {  	[tilespmem:s19], [sflag:$0x2] =	stream.indirect.gather [hbm4b:s2+s12], $0x10, s18, s12, $0xb8;
	[tilespmem:$0x1EE00] =	vst v63  }
0x87: {  	s24 =	sld [smem:$0x7FB]  }
0x88: {  	[tilespmem:s0], [sflag:$0x2] =	stream.indirect.gather [hbm4b:s2+s12], $0x10, s22, s12, $0xb8;
	[tilespmem:$0x1EE00] =	vst v63  }
0x89: {  	s25 =	sld [smem:$0x7FC];
	s19 =	simm.s32 $0x1AE00  }
0x8a: {  	[tilespmem:s19], [sflag:$0x2] =	stream.indirect.gather [hbm4b:s2+s12], $0x10, s8, s12, $0xb8;
	[tilespmem:$0x1EE00] =	vst v63  }
0x8b: {  	s26 =	sld [smem:$0x7FD]  }
0x8c: {  	[tilespmem:s24], [sflag:$0x2] =	stream.indirect.gather [hbm4b:s2+s12], $0x10, s25, s12, $0xb8;
	[tilespmem:$0x1EE00] =	vst v63  }
0x8d: {  	_ = 	snop  }
0x8e: {  	[tilespmem:s29], [sflag:$0x2] =	stream.indirect.gather [hbm4b:s2+s12], $0x10, s26, s12, $0xb8;
	[tilespmem:$0x1EE00] =	vst v63  }
0x8f: {  	s28 =	simm.s32 $0xB80;
	s29 =	simm.s32 $0x1C600  }
0x90: {  	[tilespmem:s29], [sflag:$0x2] =	stream.indirect.gather [hbm4b:s2+s12], $0x10, s28, s12, $0xb8;
	[tilespmem:$0x1EE00] =	vst v63  }
0x91: {  	s22 =	simm.s32 $0x1CE00  }
0x92: {  	[tilespmem:s22], [sflag:$0x2] =	stream.indirect.gather [hbm4b:s2+s12], $0x10, s9, s12, $0xb8;
	[tilespmem:$0x1EE00] =	vst v63  }
0x93: {  	s7 =	simm.s32 $0xC80;
	s8 =	simm.s32 $0x1D600  }
0x94: {  	[tilespmem:s8], [sflag:$0x2] =	stream.indirect.gather [hbm4b:s2+s12], $0x10, s7, s12, $0xb8;
	[tilespmem:$0x1EE00] =	vst v63  }
0x95: {  	s16 =	simm.s32 $0x1DE00;
	s9 =	simm.s32 $0xD00  }
0x96: {  	[tilespmem:s16], [sflag:$0x2] =	stream.indirect.gather [hbm4b:s2+s12], $0x10, s9, s12, $0xb8;
	[tilespmem:$0x1EE00] =	vst v63  }
0x97: {  	s30 =	simm.s32 $0x2;
	s17 =	simm.s32 $0xD80;
	s18 =	simm.s32 $0x1E600  }
0x98: {  	[tilespmem:s18], [sflag:$0x2] =	stream.indirect.gather [hbm4b:s2+s12], $0x10, s17, s12, $0xb8;
	[tilespmem:$0x1EE00] =	vst v63  }
0x99: {  	_ =	swait.ge [sflag:s30], $0x4000  }
0x9a: {  	[sflag:s30] =	ssyncset.done $0x0  }
0x9b: {  	[sflag:s30] =	ssyncadd.s32 $0xFFFFC000  }
0x9c: {  	_ =	swait.ge [sflag:s30], $0x4000  }
0x9d: {  	[sflag:s30] =	ssyncset.done $0x0  }
0x9e: {  	[sflag:s30] =	ssyncadd.s32 $0xFFFFC000  }
0x9f: {  	_ =	swait.ge [sflag:s30], $0x4000  }
0xa0: {  	[sflag:s30] =	ssyncset.done $0x0  }
0xa1: {  	[sflag:s30] =	ssyncadd.s32 $0xFFFFC000  }
0xa2: {  	_ =	swait.ge [sflag:s30], $0x4000  }
0xa3: {  	[sflag:s30] =	ssyncset.done $0x0  }
0xa4: {  	[sflag:s30] =	ssyncadd.s32 $0xFFFFC000  }
0xa5: {  	_ =	swait.ge [sflag:s30], $0x1000  }
0xa6: {  	[sflag:s30] =	ssyncset.done $0x0  }
0xa7: {  	[sflag:s30] =	ssyncadd.s32 $0xFFFFF000  }
0xa8: {  	_ =	swait.ge [sflag:s30], $0x1000  }
0xa9: {  	[sflag:s30] =	ssyncset.done $0x0  }
0xaa: {  	[sflag:s30] =	ssyncadd.s32 $0xFFFFF000  }
0xab: {  	_ =	swait.ge [sflag:s30], $0x1000  }
0xac: {  	[sflag:s30] =	ssyncset.done $0x0  }
0xad: {  	[sflag:s30] =	ssyncadd.s32 $0xFFFFF000  }
0xae: {  	_ =	swait.ge [sflag:s30], $0x1000  }
0xaf: {  	[sflag:s30] =	ssyncset.done $0x0  }
0xb0: {  	[sflag:s30] =	ssyncadd.s32 $0xFFFFF000  }
0xb1: {  	_ =	swait.ge [sflag:s30], $0x800  }
0xb2: {  	[sflag:s30] =	ssyncset.done $0x0  }
0xb3: {  	[sflag:s30] =	ssyncadd.s32 $0xFFFFF800  }
0xb4: {  	_ =	swait.ge [sflag:s30], $0x800  }
0xb5: {  	[sflag:s30] =	ssyncset.done $0x0  }
0xb6: {  	[sflag:s30] =	ssyncadd.s32 $0xFFFFF800  }
0xb7: {  	_ =	swait.ge [sflag:s30], $0x800  }
0xb8: {  	[sflag:s30] =	ssyncset.done $0x0  }
0xb9: {  	[sflag:s30] =	ssyncadd.s32 $0xFFFFF800  }
0xba: {  	_ =	swait.ge [sflag:s30], $0x800  }
0xbb: {  	[sflag:s30] =	ssyncset.done $0x0  }
0xbc: {  	[sflag:s30] =	ssyncadd.s32 $0xFFFFF800  }
0xbd: {  	_ =	swait.ge [sflag:s30], $0x800  }
0xbe: {  	[sflag:s30] =	ssyncset.done $0x0  }
0xbf: {  	[sflag:s30] =	ssyncadd.s32 $0xFFFFF800  }
0xc0: {  	_ =	swait.ge [sflag:s30], $0x800  }
0xc1: {  	[sflag:s30] =	ssyncset.done $0x0  }
0xc2: {  	[sflag:s30] =	ssyncadd.s32 $0xFFFFF800  }
0xc3: {  	_ =	swait.ge [sflag:s30], $0x800  }
0xc4: {  	[sflag:s30] =	ssyncset.done $0x0  }
0xc5: {  	[sflag:s30] =	ssyncadd.s32 $0xFFFFF800  }
0xc6: {  	_ =	swait.ge [sflag:s30], $0x800  }
0xc7: {  	[sflag:s30] =	ssyncset.done $0x0  }
0xc8: {  	[sflag:s30] =	ssyncadd.s32 $0xFFFFF800  }
0xc9: {  	_ =	swait.ge [sflag:s30], $0x800  }
0xca: {  	[sflag:s30] =	ssyncset.done $0x0  }
0xcb: {  	[sflag:s30] =	ssyncadd.s32 $0xFFFFF800  }
0xcc: {  	_ =	swait.ge [sflag:s30], $0x800  }
0xcd: {  	[sflag:s30] =	ssyncset.done $0x0  }
0xce: {  	[sflag:s30] =	ssyncadd.s32 $0xFFFFF800  }
0xcf: {  	_ =	swait.ge [sflag:s30], $0x800  }
0xd0: {  	[sflag:s30] =	ssyncset.done $0x0  }
0xd1: {  	[sflag:s30] =	ssyncadd.s32 $0xFFFFF800  }
0xd2: {  	_ =	swait.ge [sflag:s30], $0x800  }
0xd3: {  	[sflag:s30] =	ssyncset.done $0x0  }
0xd4: {  	[sflag:s30] =	ssyncadd.s32 $0xFFFFF800  }
0xd5: {  	_ =	swait.ge [sflag:s30], $0x800  }
0xd6: {  	[sflag:s30] =	ssyncset.done $0x0  }
0xd7: {  	[sflag:s30] =	ssyncadd.s32 $0xFFFFF800  }
0xd8: {  	_ =	swait.ge [sflag:s30], $0x800  }
0xd9: {  	[sflag:s30] =	ssyncset.done $0x0  }
0xda: {  	[sflag:s30] =	ssyncadd.s32 $0xFFFFF800  }
0xdb: {  	_ =	swait.ge [sflag:s30], $0x800  }
0xdc: {  	[sflag:s30] =	ssyncset.done $0x0  }
0xdd: {  	[sflag:s30] =	ssyncadd.s32 $0xFFFFF800  }
0xde: {  	_ =	swait.ge [sflag:s30], $0x800  }
0xdf: {  	[sflag:s30] =	ssyncset.done $0x0  }
0xe0: {  	[sflag:s30] =	ssyncadd.s32 $0xFFFFF800  }
0xe1: {  	_ =	swait.ge [sflag:s30], $0x800  }
0xe2: {  	[sflag:s30] =	ssyncset.done $0x0  }
0xe3: {  	[sflag:s30] =	ssyncadd.s32 $0xFFFFF800  }
0xe4: {  	_ =	swait.ge [sflag:s30], $0x800  }
0xe5: {  	[sflag:s30] =	ssyncset.done $0x0  }
0xe6: {  	[sflag:s30] =	ssyncadd.s32 $0xFFFFF800  }
0xe7: {  	_ =	swait.ge [sflag:s30], $0x800  }
0xe8: {  	[sflag:s30] =	ssyncset.done $0x0  }
0xe9: {  	[sflag:s30] =	ssyncadd.s32 $0xFFFFF800  }
0xea: {  	_ =	swait.ge [sflag:s30], $0x800  }
0xeb: {  	[sflag:s30] =	ssyncset.done $0x0  }
0xec: {  	s20 =	rddreg [dreg:$0xc];
	[sflag:s30] =	ssyncadd.s32 $0xFFFFF800  }
0xed: {  	[hbm4b:s20+s3] =	stream.linear.scatter [tilespmem:s13], [sflag:$0x3], $0x10000, $0x38;
	[tilespmem:$0x1EE00] =	vst v63  }
0xee: {  	s21 =	rddreg [dreg:$0xd]  }
0xef: {  	[hbm4b:s21+s3] =	stream.linear.scatter [tilespmem:s15], [sflag:$0x3], $0x4000, $0x38;
	[tilespmem:$0x1EE00] =	vst v63  }
0xf0: {  	s23 =	rddreg [dreg:$0xe]  }
0xf1: {  	[hbm4b:s23+s3] =	stream.linear.scatter [tilespmem:s4], [sflag:$0x3], $0x2000, $0x38;
	[tilespmem:$0x1EE00] =	vst v63  }
0xf2: {  	s24 =	rddreg [dreg:$0xf]  }
0xf3: {  	[hbm4b:s24+s3] =	stream.linear.scatter [tilespmem:s5], [sflag:$0x3], $0x2000, $0x38;
	[tilespmem:$0x1EE00] =	vst v63  }
0xf4: {  	s25 =	rddreg [dreg:$0x10]  }
0xf5: {  	[hbm4b:s25+s3] =	stream.linear.scatter [tilespmem:s6], [sflag:$0x3], $0x2000, $0x38;
	[tilespmem:$0x1EE00] =	vst v63  }
0xf6: {  	s26 =	rddreg [dreg:$0x11]  }
0xf7: {  	[hbm4b:s26+s3] =	stream.linear.scatter [tilespmem:s19], [sflag:$0x3], $0x2000, $0x38;
	[tilespmem:$0x1EE00] =	vst v63  }
0xf8: {  	s31 =	simm.s32 $0x3;
	s29 =	ssub.s32 $0x2, s1;
	s28 =	rddreg [dreg:$0x12]  }
0xf9: {  	[hbm4b:s28+s3] =	stream.linear.scatter [tilespmem:s22], [sflag:$0x3], $0x2000, $0x38;
	[tilespmem:$0x1EE00] =	vst v63  }
0xfa: {  	s1 =	sshrl.u32 s29, $0x1;
	_ =	swait.ge [sflag:s31], $0x10000  }
0xfb: {  	s0 =	ssub.s32 s29, s1;
	[sflag:s31] =	ssyncset.done $0x0  }
0xfc: {  	s0 =	smax.u32 s0, $0x1;
	[sflag:s31] =	ssyncadd.s32 $0xFFFF0000  }
0xfd: {  	p0 =	sne.s32 s0, $0x1;
	_ =	swait.ge [sflag:s31], $0x4000  }
.Ltmp0:
0xfe: {  	[sflag:s31] =	ssyncset.done $0x0;
	(pc) =	sbr.rel @!p0 .LBB2_3-.Ltmp0, $4  }
0xff: {  	[sflag:s31] =	ssyncadd.s32 $0xFFFFC000  }
0x100: {  	_ =	swait.ge [sflag:s31], $0x2000  }
0x101: {  	[sflag:s31] =	ssyncset.done $0x0  }
0x102: {  	s1 =	sadd.s32 $0xFFFFFFFF, s0;
	[sflag:s31] =	ssyncadd.s32 $0xFFFFE000  }
0x103: {  	s15 =	simm.s32 $0x800  }
0x104: {  	s16 =	simm.s32 $0xA00;
	s17 =	simm.s32 $0xC00;
	s18 =	simm.s32 $0xE00  }
.LBB2_2:
0x105: {  	_ =	swait.ge [sflag:s31], $0x2000  }
0x106: {  	[sflag:s31] =	ssyncset.done $0x0  }
0x107: {  	[sflag:s31] =	ssyncadd.s32 $0xFFFFE000  }
0x108: {  	_ =	swait.ge [sflag:s31], $0x2000  }
0x109: {  	[sflag:s31] =	ssyncset.done $0x0  }
0x10a: {  	[sflag:s31] =	ssyncadd.s32 $0xFFFFE000  }
0x10b: {  	_ =	swait.ge [sflag:s31], $0x2000  }
0x10c: {  	[sflag:s31] =	ssyncset.done $0x0  }
0x10d: {  	[sflag:s31] =	ssyncadd.s32 $0xFFFFE000  }
0x10e: {  	_ =	swait.ge [sflag:s31], $0x2000  }
0x10f: {  	[sflag:s31] =	ssyncset.done $0x0  }
0x110: {  	s0 =	rddreg [dreg:$0x5];
	[sflag:s31] =	ssyncadd.s32 $0xFFFFE000  }
0x111: {  	[tilespmem:s3], [sflag:$0x1] =	stream.linear.gather [hbm4b:s0+s3], $0x200, $0x38;
	[tilespmem:$0x1EE00] =	vst v63  }
0x112: {  	s8 =	simm.s32 $0x200;
	s20 =	rddreg [dreg:$0x6]  }
0x113: {  	[tilespmem:s8], [sflag:$0x1] =	stream.linear.gather [hbm4b:s20+s3], $0x200, $0x38;
	[tilespmem:$0x1EE00] =	vst v63  }
0x114: {  	s9 =	simm.s32 $0x400;
	s29 =	rddreg [dreg:$0x7]  }
0x115: {  	[tilespmem:s9], [sflag:$0x1] =	stream.linear.gather [hbm4b:s29+s3], $0x200, $0x38;
	[tilespmem:$0x1EE00] =	vst v63  }
0x116: {  	s13 =	simm.s32 $0x600;
	s4 =	rddreg [dreg:$0x8]  }
0x117: {  	[tilespmem:s13], [sflag:$0x1] =	stream.linear.gather [hbm4b:s4+s3], $0x200, $0x38;
	[tilespmem:$0x1EE00] =	vst v63  }
0x118: {  	s5 =	rddreg [dreg:$0x9]  }
0x119: {  	[tilespmem:s15], [sflag:$0x1] =	stream.linear.gather [hbm4b:s5+s3], $0x200, $0x38;
	[tilespmem:$0x1EE00] =	vst v63  }
0x11a: {  	s6 =	rddreg [dreg:$0xa]  }
0x11b: {  	[tilespmem:s16], [sflag:$0x1] =	stream.linear.gather [hbm4b:s6+s3], $0x200, $0x38;
	[tilespmem:$0x1EE00] =	vst v63  }
0x11c: {  	s7 =	rddreg [dreg:$0xb]  }
0x11d: {  	[tilespmem:s17], [sflag:$0x1] =	stream.linear.gather [hbm4b:s7+s3], $0x200, $0x38;
	[tilespmem:$0x1EE00] =	vst v63  }
0x11e: {  	_ =	swait.ge [sflag:s10], $0x200  }
0x11f: {  	[sflag:s10] =	ssyncset.done $0x0  }
0x120: {  	[sflag:s10] =	ssyncadd.s32 $0xFFFFFE00  }
0x121: {  	_ =	swait.ge [sflag:s10], $0x200  }
0x122: {  	[sflag:s10] =	ssyncset.done $0x0  }
0x123: {  	[sflag:s10] =	ssyncadd.s32 $0xFFFFFE00  }
0x124: {  	_ =	swait.ge [sflag:s10], $0x200  }
0x125: {  	[sflag:s10] =	ssyncset.done $0x0  }
0x126: {  	[sflag:s10] =	ssyncadd.s32 $0xFFFFFE00  }
0x127: {  	_ =	swait.ge [sflag:s10], $0x200  }
0x128: {  	[sflag:s10] =	ssyncset.done $0x0  }
0x129: {  	[sflag:s10] =	ssyncadd.s32 $0xFFFFFE00  }
0x12a: {  	_ =	swait.ge [sflag:s10], $0x200  }
0x12b: {  	[sflag:s10] =	ssyncset.done $0x0  }
0x12c: {  	[sflag:s10] =	ssyncadd.s32 $0xFFFFFE00  }
0x12d: {  	_ =	swait.ge [sflag:s10], $0x200  }
0x12e: {  	[sflag:s10] =	ssyncset.done $0x0  }
0x12f: {  	[sflag:s10] =	ssyncadd.s32 $0xFFFFFE00  }
0x130: {  	_ =	swait.ge [sflag:s10], $0x200  }
0x131: {  	s0 =	sld [smem:$0x7EA]  }
0x132: {  	s20 =	sld [smem:$0x7EB]  }
0x133: {  	s21 =	sld [smem:$0x7EC]  }
0x134: {  	s24 =	sld [smem:$0x7ED]  }
0x135: {  	s25 =	sld [smem:$0x7F0]  }
0x136: {  	s26 =	sld [smem:$0x7EE]  }
0x137: {  	s28 =	rddreg [dreg:$0x1d]  }
0x138: {  	s29 =	rddreg [dreg:$0x1b]  }
0x139: {  	s4 =	rddreg [dreg:$0x19]  }
0x13a: {  	s23 =	rddreg [dreg:$0x14]  }
0x13b: {  	[sflag:s10] =	ssyncset.done $0x0;
	s5 =	rddreg [dreg:$0x13]  }
0x13c: {  	s6 =	rddreg [dreg:$0x15];
	[sflag:s10] =	ssyncadd.s32 $0xFFFFFE00  }
0x13d: {  	[tilespmem:s18], [sflag:$0x2] =	stream.indirect.gather [hbm4b:s11+s12], $0x80, s3, s12, $0xb8;
	[tilespmem:$0x1EE00] =	vst v63  }
0x13e: {  	s7 =	rddreg [dreg:$0x17]  }
0x13f: {  	[tilespmem:s5], [sflag:$0x2] =	stream.indirect.gather [hbm4b:s11+s12], $0x80, s12, s12, $0xb8;
	[tilespmem:$0x1EE00] =	vst v63  }
0x140: {  	s5 =	rddreg [dreg:$0x16]  }
0x141: {  	[tilespmem:s6], [sflag:$0x2] =	stream.indirect.gather [hbm4b:s11+s12], $0x80, s23, s12, $0xb8;
	[tilespmem:$0x1EE00] =	vst v63  }
0x142: {  	s23 =	sld [smem:$0x7F5]  }
0x143: {  	[tilespmem:s7], [sflag:$0x2] =	stream.indirect.gather [hbm4b:s11+s12], $0x80, s5, s12, $0xb8;
	[tilespmem:$0x1EE00] =	vst v63  }
0x144: {  	s6 =	rddreg [dreg:$0x1a];
	s7 =	simm.s32 $0x10E00  }
0x145: {  	[tilespmem:s7], [sflag:$0x2] =	stream.indirect.gather [hbm4b:s14+s12], $0x20, s8, s12, $0xb8;
	[tilespmem:$0x1EE00] =	vst v63  }
0x146: {  	s5 =	rddreg [dreg:$0x18]  }
0x147: {  	[tilespmem:s4], [sflag:$0x2] =	stream.indirect.gather [hbm4b:s14+s12], $0x20, s5, s12, $0xb8;
	[tilespmem:$0x1EE00] =	vst v63  }
0x148: {  	s8 =	rddreg [dreg:$0x1c]  }
0x149: {  	[tilespmem:s29], [sflag:$0x2] =	stream.indirect.gather [hbm4b:s14+s12], $0x20, s6, s12, $0xb8;
	[tilespmem:$0x1EE00] =	vst v63  }
0x14a: {  	s29 =	rddreg [dreg:$0x1f]  }
0x14b: {  	[tilespmem:s28], [sflag:$0x2] =	stream.indirect.gather [hbm4b:s14+s12], $0x20, s8, s12, $0xb8;
	[tilespmem:$0x1EE00] =	vst v63  }
0x14c: {  	s6 =	rddreg [dreg:$0x1e];
	s8 =	simm.s32 $0x14E00  }
0x14d: {  	[tilespmem:s8], [sflag:$0x2] =	stream.indirect.gather [hbm4b:s2+s12], $0x10, s9, s12, $0xb8;
	[tilespmem:$0x1EE00] =	vst v63  }
0x14e: {  	s9 =	sld [smem:$0x7EF]  }
0x14f: {  	[tilespmem:s29], [sflag:$0x2] =	stream.indirect.gather [hbm4b:s2+s12], $0x10, s6, s12, $0xb8;
	[tilespmem:$0x1EE00] =	vst v63  }
0x150: {  	s28 =	sld [smem:$0x7F1]  }
0x151: {  	[tilespmem:s26], [sflag:$0x2] =	stream.indirect.gather [hbm4b:s2+s12], $0x10, s9, s12, $0xb8;
	[tilespmem:$0x1EE00] =	vst v63  }
0x152: {  	s29 =	sld [smem:$0x7F2]  }
0x153: {  	[tilespmem:s25], [sflag:$0x2] =	stream.indirect.gather [hbm4b:s2+s12], $0x10, s28, s12, $0xb8;
	[tilespmem:$0x1EE00] =	vst v63  }
0x154: {  	s6 =	sld [smem:$0x7F3];
	s9 =	simm.s32 $0x16E00  }
0x155: {  	[tilespmem:s9], [sflag:$0x2] =	stream.indirect.gather [hbm4b:s2+s12], $0x10, s13, s12, $0xb8;
	[tilespmem:$0x1EE00] =	vst v63  }
0x156: {  	s13 =	sld [smem:$0x7F4]  }
0x157: {  	[tilespmem:s29], [sflag:$0x2] =	stream.indirect.gather [hbm4b:s2+s12], $0x10, s6, s12, $0xb8;
	[tilespmem:$0x1EE00] =	vst v63  }
0x158: {  	s25 =	sld [smem:$0x7F6]  }
0x159: {  	[tilespmem:s24], [sflag:$0x2] =	stream.indirect.gather [hbm4b:s2+s12], $0x10, s13, s12, $0xb8;
	[tilespmem:$0x1EE00] =	vst v63  }
0x15a: {  	s26 =	sld [smem:$0x7F7]  }
0x15b: {  	[tilespmem:s21], [sflag:$0x2] =	stream.indirect.gather [hbm4b:s2+s12], $0x10, s25, s12, $0xb8;
	[tilespmem:$0x1EE00] =	vst v63  }
0x15c: {  	s28 =	sld [smem:$0x7F8];
	s13 =	simm.s32 $0x18E00  }
0x15d: {  	[tilespmem:s13], [sflag:$0x2] =	stream.indirect.gather [hbm4b:s2+s12], $0x10, s15, s12, $0xb8;
	[tilespmem:$0x1EE00] =	vst v63  }
0x15e: {  	s29 =	sld [smem:$0x7F9]  }
0x15f: {  	[tilespmem:s26], [sflag:$0x2] =	stream.indirect.gather [hbm4b:s2+s12], $0x10, s28, s12, $0xb8;
	[tilespmem:$0x1EE00] =	vst v63  }
0x160: {  	s5 =	sld [smem:$0x7FA]  }
0x161: {  	[tilespmem:s20], [sflag:$0x2] =	stream.indirect.gather [hbm4b:s2+s12], $0x10, s29, s12, $0xb8;
	[tilespmem:$0x1EE00] =	vst v63  }
0x162: {  	s21 =	sld [smem:$0x7FC]  }
0x163: {  	[tilespmem:s0], [sflag:$0x2] =	stream.indirect.gather [hbm4b:s2+s12], $0x10, s5, s12, $0xb8;
	[tilespmem:$0x1EE00] =	vst v63  }
0x164: {  	s20 =	sld [smem:$0x7FB]  }
0x165: {  	[tilespmem:s19], [sflag:$0x2] =	stream.indirect.gather [hbm4b:s2+s12], $0x10, s16, s12, $0xb8;
	[tilespmem:$0x1EE00] =	vst v63  }
0x166: {  	s24 =	sld [smem:$0x7FD]  }
0x167: {  	[tilespmem:s20], [sflag:$0x2] =	stream.indirect.gather [hbm4b:s2+s12], $0x10, s21, s12, $0xb8;
	[tilespmem:$0x1EE00] =	vst v63  }
0x168: {  	_ = 	snop  }
0x169: {  	[tilespmem:s23], [sflag:$0x2] =	stream.indirect.gather [hbm4b:s2+s12], $0x10, s24, s12, $0xb8;
	[tilespmem:$0x1EE00] =	vst v63  }
0x16a: {  	s25 =	simm.s32 $0xB80;
	s26 =	simm.s32 $0x1C600  }
0x16b: {  	[tilespmem:s26], [sflag:$0x2] =	stream.indirect.gather [hbm4b:s2+s12], $0x10, s25, s12, $0xb8;
	[tilespmem:$0x1EE00] =	vst v63  }
0x16c: {  	_ = 	snop  }
0x16d: {  	[tilespmem:s22], [sflag:$0x2] =	stream.indirect.gather [hbm4b:s2+s12], $0x10, s17, s12, $0xb8;
	[tilespmem:$0x1EE00] =	vst v63  }
0x16e: {  	s28 =	simm.s32 $0xC80;
	s29 =	simm.s32 $0x1D600  }
0x16f: {  	[tilespmem:s29], [sflag:$0x2] =	stream.indirect.gather [hbm4b:s2+s12], $0x10, s28, s12, $0xb8;
	[tilespmem:$0x1EE00] =	vst v63  }
0x170: {  	s4 =	simm.s32 $0xD00;
	s5 =	simm.s32 $0x1DE00  }
0x171: {  	[tilespmem:s5], [sflag:$0x2] =	stream.indirect.gather [hbm4b:s2+s12], $0x10, s4, s12, $0xb8;
	[tilespmem:$0x1EE00] =	vst v63  }
0x172: {  	s6 =	simm.s32 $0xD80;
	s20 =	simm.s32 $0x1E600  }
0x173: {  	[tilespmem:s20], [sflag:$0x2] =	stream.indirect.gather [hbm4b:s2+s12], $0x10, s6, s12, $0xb8;
	[tilespmem:$0x1EE00] =	vst v63  }
0x174: {  	_ =	swait.ge [sflag:s30], $0x4000  }
0x175: {  	[sflag:s30] =	ssyncset.done $0x0  }
0x176: {  	[sflag:s30] =	ssyncadd.s32 $0xFFFFC000  }
0x177: {  	_ =	swait.ge [sflag:s30], $0x4000  }
0x178: {  	[sflag:s30] =	ssyncset.done $0x0  }
0x179: {  	[sflag:s30] =	ssyncadd.s32 $0xFFFFC000  }
0x17a: {  	_ =	swait.ge [sflag:s30], $0x4000  }
0x17b: {  	[sflag:s30] =	ssyncset.done $0x0  }
0x17c: {  	[sflag:s30] =	ssyncadd.s32 $0xFFFFC000  }
0x17d: {  	_ =	swait.ge [sflag:s30], $0x4000  }
0x17e: {  	[sflag:s30] =	ssyncset.done $0x0  }
0x17f: {  	[sflag:s30] =	ssyncadd.s32 $0xFFFFC000  }
0x180: {  	_ =	swait.ge [sflag:s30], $0x1000  }
0x181: {  	[sflag:s30] =	ssyncset.done $0x0  }
0x182: {  	[sflag:s30] =	ssyncadd.s32 $0xFFFFF000  }
0x183: {  	_ =	swait.ge [sflag:s30], $0x1000  }
0x184: {  	[sflag:s30] =	ssyncset.done $0x0  }
0x185: {  	[sflag:s30] =	ssyncadd.s32 $0xFFFFF000  }
0x186: {  	_ =	swait.ge [sflag:s30], $0x1000  }
0x187: {  	[sflag:s30] =	ssyncset.done $0x0  }
0x188: {  	[sflag:s30] =	ssyncadd.s32 $0xFFFFF000  }
0x189: {  	_ =	swait.ge [sflag:s30], $0x1000  }
0x18a: {  	[sflag:s30] =	ssyncset.done $0x0  }
0x18b: {  	[sflag:s30] =	ssyncadd.s32 $0xFFFFF000  }
0x18c: {  	_ =	swait.ge [sflag:s30], $0x800  }
0x18d: {  	[sflag:s30] =	ssyncset.done $0x0  }
0x18e: {  	[sflag:s30] =	ssyncadd.s32 $0xFFFFF800  }
0x18f: {  	_ =	swait.ge [sflag:s30], $0x800  }
0x190: {  	[sflag:s30] =	ssyncset.done $0x0  }
0x191: {  	[sflag:s30] =	ssyncadd.s32 $0xFFFFF800  }
0x192: {  	_ =	swait.ge [sflag:s30], $0x800  }
0x193: {  	[sflag:s30] =	ssyncset.done $0x0  }
0x194: {  	[sflag:s30] =	ssyncadd.s32 $0xFFFFF800  }
0x195: {  	_ =	swait.ge [sflag:s30], $0x800  }
0x196: {  	[sflag:s30] =	ssyncset.done $0x0  }
0x197: {  	[sflag:s30] =	ssyncadd.s32 $0xFFFFF800  }
0x198: {  	_ =	swait.ge [sflag:s30], $0x800  }
0x199: {  	[sflag:s30] =	ssyncset.done $0x0  }
0x19a: {  	[sflag:s30] =	ssyncadd.s32 $0xFFFFF800  }
0x19b: {  	_ =	swait.ge [sflag:s30], $0x800  }
0x19c: {  	[sflag:s30] =	ssyncset.done $0x0  }
0x19d: {  	[sflag:s30] =	ssyncadd.s32 $0xFFFFF800  }
0x19e: {  	_ =	swait.ge [sflag:s30], $0x800  }
0x19f: {  	[sflag:s30] =	ssyncset.done $0x0  }
0x1a0: {  	[sflag:s30] =	ssyncadd.s32 $0xFFFFF800  }
0x1a1: {  	_ =	swait.ge [sflag:s30], $0x800  }
0x1a2: {  	[sflag:s30] =	ssyncset.done $0x0  }
0x1a3: {  	[sflag:s30] =	ssyncadd.s32 $0xFFFFF800  }
0x1a4: {  	_ =	swait.ge [sflag:s30], $0x800  }
0x1a5: {  	[sflag:s30] =	ssyncset.done $0x0  }
0x1a6: {  	[sflag:s30] =	ssyncadd.s32 $0xFFFFF800  }
0x1a7: {  	_ =	swait.ge [sflag:s30], $0x800  }
0x1a8: {  	[sflag:s30] =	ssyncset.done $0x0  }
0x1a9: {  	[sflag:s30] =	ssyncadd.s32 $0xFFFFF800  }
0x1aa: {  	_ =	swait.ge [sflag:s30], $0x800  }
0x1ab: {  	[sflag:s30] =	ssyncset.done $0x0  }
0x1ac: {  	[sflag:s30] =	ssyncadd.s32 $0xFFFFF800  }
0x1ad: {  	_ =	swait.ge [sflag:s30], $0x800  }
0x1ae: {  	[sflag:s30] =	ssyncset.done $0x0  }
0x1af: {  	[sflag:s30] =	ssyncadd.s32 $0xFFFFF800  }
0x1b0: {  	_ =	swait.ge [sflag:s30], $0x800  }
0x1b1: {  	[sflag:s30] =	ssyncset.done $0x0  }
0x1b2: {  	[sflag:s30] =	ssyncadd.s32 $0xFFFFF800  }
0x1b3: {  	_ =	swait.ge [sflag:s30], $0x800  }
0x1b4: {  	[sflag:s30] =	ssyncset.done $0x0  }
0x1b5: {  	[sflag:s30] =	ssyncadd.s32 $0xFFFFF800  }
0x1b6: {  	_ =	swait.ge [sflag:s30], $0x800  }
0x1b7: {  	[sflag:s30] =	ssyncset.done $0x0  }
0x1b8: {  	[sflag:s30] =	ssyncadd.s32 $0xFFFFF800  }
0x1b9: {  	_ =	swait.ge [sflag:s30], $0x800  }
0x1ba: {  	[sflag:s30] =	ssyncset.done $0x0  }
0x1bb: {  	[sflag:s30] =	ssyncadd.s32 $0xFFFFF800  }
0x1bc: {  	_ =	swait.ge [sflag:s30], $0x800  }
0x1bd: {  	[sflag:s30] =	ssyncset.done $0x0  }
0x1be: {  	[sflag:s30] =	ssyncadd.s32 $0xFFFFF800  }
0x1bf: {  	_ =	swait.ge [sflag:s30], $0x800  }
0x1c0: {  	[sflag:s30] =	ssyncset.done $0x0  }
0x1c1: {  	[sflag:s30] =	ssyncadd.s32 $0xFFFFF800  }
0x1c2: {  	_ =	swait.ge [sflag:s30], $0x800  }
0x1c3: {  	[sflag:s30] =	ssyncset.done $0x0  }
0x1c4: {  	[sflag:s30] =	ssyncadd.s32 $0xFFFFF800  }
0x1c5: {  	_ =	swait.ge [sflag:s30], $0x800  }
0x1c6: {  	[sflag:s30] =	ssyncset.done $0x0  }
0x1c7: {  	s21 =	rddreg [dreg:$0xc];
	[sflag:s30] =	ssyncadd.s32 $0xFFFFF800  }
0x1c8: {  	[hbm4b:s21+s3] =	stream.linear.scatter [tilespmem:s18], [sflag:$0x3], $0x10000, $0x38;
	[tilespmem:$0x1EE00] =	vst v63  }
0x1c9: {  	s23 =	rddreg [dreg:$0xd]  }
0x1ca: {  	[hbm4b:s23+s3] =	stream.linear.scatter [tilespmem:s7], [sflag:$0x3], $0x4000, $0x38;
	[tilespmem:$0x1EE00] =	vst v63  }
0x1cb: {  	s24 =	rddreg [dreg:$0xe]  }
0x1cc: {  	[hbm4b:s24+s3] =	stream.linear.scatter [tilespmem:s8], [sflag:$0x3], $0x2000, $0x38;
	[tilespmem:$0x1EE00] =	vst v63  }
0x1cd: {  	s25 =	rddreg [dreg:$0xf]  }
0x1ce: {  	[hbm4b:s25+s3] =	stream.linear.scatter [tilespmem:s9], [sflag:$0x3], $0x2000, $0x38;
	[tilespmem:$0x1EE00] =	vst v63  }
0x1cf: {  	s26 =	rddreg [dreg:$0x10]  }
0x1d0: {  	[hbm4b:s26+s3] =	stream.linear.scatter [tilespmem:s13], [sflag:$0x3], $0x2000, $0x38;
	[tilespmem:$0x1EE00] =	vst v63  }
0x1d1: {  	s28 =	rddreg [dreg:$0x11]  }
0x1d2: {  	[hbm4b:s28+s3] =	stream.linear.scatter [tilespmem:s19], [sflag:$0x3], $0x2000, $0x38;
	[tilespmem:$0x1EE00] =	vst v63  }
0x1d3: {  	s29 =	rddreg [dreg:$0x12]  }
0x1d4: {  	[hbm4b:s29+s3] =	stream.linear.scatter [tilespmem:s22], [sflag:$0x3], $0x2000, $0x38;
	[tilespmem:$0x1EE00] =	vst v63  }
0x1d5: {  	_ =	swait.ge [sflag:s31], $0x10000  }
0x1d6: {  	[sflag:s31] =	ssyncset.done $0x0  }
0x1d7: {  	[sflag:s31] =	ssyncadd.s32 $0xFFFF0000  }
0x1d8: {  	p0 =	sne.s32 s1, $0x1;
	_ =	swait.ge [sflag:s31], $0x4000  }
.Ltmp1:
0x1d9: {  	[sflag:s31] =	ssyncset.done $0x0;
	(pc) =	sbr.rel @p0 .LBB2_2-.Ltmp1, $4  }
0x1da: {  	[sflag:s31] =	ssyncadd.s32 $0xFFFFC000  }
0x1db: {  	_ =	swait.ge [sflag:s31], $0x2000  }
0x1dc: {  	[sflag:s31] =	ssyncset.done $0x0  }
0x1dd: {  	s1 =	sadd.s32 $0xFFFFFFFF, s1;
	[sflag:s31] =	ssyncadd.s32 $0xFFFFE000  }
.LBB2_3:
0x1de: {  	_ =	swait.ge [sflag:s31], $0x2000  }
0x1df: {  	[sflag:s31] =	ssyncset.done $0x0  }
0x1e0: {  	[sflag:s31] =	ssyncadd.s32 $0xFFFFE000  }
0x1e1: {  	_ =	swait.ge [sflag:s31], $0x2000  }
0x1e2: {  	[sflag:s31] =	ssyncset.done $0x0  }
0x1e3: {  	[sflag:s31] =	ssyncadd.s32 $0xFFFFE000  }
0x1e4: {  	_ =	swait.ge [sflag:s31], $0x2000  }
0x1e5: {  	[sflag:s31] =	ssyncset.done $0x0  }
0x1e6: {  	[sflag:s31] =	ssyncadd.s32 $0xFFFFE000  }
0x1e7: {  	_ =	swait.ge [sflag:s31], $0x2000  }
0x1e8: {  	[sflag:s31] =	ssyncset.done $0x0  }
0x1e9: {  	[sflag:s31] =	ssyncadd.s32 $0xFFFFE000  }
0x1ea: {  	_ =	sfence.sel $0x180000  }
0x1eb: {  	[bflag:$0x0] =	sbarrier.arrive $0xFFFF  }
0x1ec: {  	_ =	strace $0x90000047  }
0x1ed: {  	s0 =	stileid.u32;
	[bflag:$0x2] =	sbarrier.arrive $0xFFFF  }
0x1ee: {  	p0 =	sne.s32 s0, $0x0;
	s0 =	rddreg [dreg:$0x4]  }
0x1ef: {  	s0 =	sadd.s32 @!p0 $0x100000, s0  }
0x1f0: {  	[sflag:s0] =	ssyncadd.tile.s32 @!p0 $0x1;
	_ =	shalt  }
.Lfunc_end2:
_tile_overlayer_lowered:
.L_overlay_start_2:
0x1f1: {  	(tag) =	ssettag $0x2  }
0x1f2: {  	s0 =	rddreg [dreg:$0x0];
	s2 =	stileid.u32  }
0x1f3: {  	s1 =	rddreg [dreg:$0x1];
	p0 =	sne.s32 s2, $0x0  }
0x1f4: {  	s3 =	rddreg [dreg:$0x2];
	[bflag:$0x3] =	sbarrier.arrive $0xFFFF;
	s2 =	simm.s32 @!p0 $0x1C04  }
0x1f5: {  	[timem:s3], [sflag:s2] =	dma.local @!p0 [hbm:s0], s1  }
0x1f6: {  	s0 =	simm.s32 @!p0 $0x4  }
0x1f7: {  	_ =	swait.ge @!p0 [sflag:s0], s1  }
0x1f8: {  	s1 =	ssub.s32 @!p0 $0x0, s1;
	[sflag:s0] =	ssyncset.done @!p0 $0x0  }
0x1f9: {  	[sflag:s0] =	ssyncadd.s32 @!p0 s1  }
0x1fa: {  	[bflag:$0x3] =	sbarrier.arrive $0xFFFF  }
0x1fb: {  	_ =	shalt  }

</sc_bundles>
